<compile_context>
chip_gen: v7x
topology: tpu7x:2x2x1
jax: 0.10.2.dev20260603
libtpu: 0.0.44.dev20260713+nightly
codegen_flags: <defaults>
</compile_context>

<pallas_src>
import functools

import jax
import jax.numpy as jnp
from jax import lax
from jax.experimental import pallas as pl
from jax.experimental.pallas import tpu as pltpu
from jax.experimental.pallas import tpu_sc as plsc

_NC = 2
_NS = 16
_NW = _NC * _NS

_B = 16384
_D = 64
_N = 1000000
_B_PER_W = _B // _NW
_NGRP = _B_PER_W // 16
_DEPTH = 8


def _gather_body(tt_hbm, idx_hbm, out_hbm, idx_v, q_v, r_v, stg_v,
                 b0, b1, b2, b3, b4, b5, b6, b7,
                 s0, s1, s2, s3, s4, s5, s6, s7):
    bufs = (b0, b1, b2, b3, b4, b5, b6, b7)
    sems = (s0, s1, s2, s3, s4, s5, s6, s7)
    wid = lax.axis_index("s") * _NC + lax.axis_index("c")
    base = wid * _B_PER_W
    pltpu.sync_copy(idx_hbm.at[pl.ds(base, _B_PER_W)], idx_v)

    def prep(jg, carry):
        v = idx_v[pl.ds(jg * 16, 16)]
        q_v[pl.ds(jg * 16, 16)] = lax.shift_right_logical(v, 7)
        r_v[pl.ds(jg * 16, 16)] = lax.bitwise_and(v, 127)
        return carry

    lax.fori_loop(0, _NGRP, prep, 0)

    def fetch(q, slot):
        pltpu.async_copy(
            tt_hbm.at[:, pl.ds(q * 128, 128)],
            bufs[slot],
            sems[slot],
        )

    qhead = q_v[pl.ds(0, 16)]
    for t in range(_DEPTH - 1):
        fetch(qhead[t], t % _DEPTH)

    lanes = lax.iota(jnp.int32, 16)
    z16 = jnp.zeros((16,), jnp.int32)

    def group(jg, carry):
        qv = q_v[pl.ds(jg * 16, 16)]
        rv = r_v[pl.ds(jg * 16, 16)]
        jg_next = lax.min(jg + 1, _NGRP - 1)
        qnext = q_v[pl.ds(jg_next * 16, 16)]
        for k in range(16):
            slot = k % _DEPTH
            if k + _DEPTH - 1 < 16:
                qa = qv[k + _DEPTH - 1]
            else:
                qa = qnext[k + _DEPTH - 1 - 16]
            fetch(qa, (k + _DEPTH - 1) % _DEPTH)
            pltpu.make_async_copy(
                tt_hbm.at[:, pl.ds(0, 128)],
                bufs[slot],
                sems[slot],
            ).wait()
            rb = z16 + rv[k]
            tb = z16 + (jg * 16 + k)
            for m in range(_D // 16):
                c16 = lanes + m * 16
                vals = plsc.load_gather(bufs[slot], [c16, rb])
                plsc.store_scatter(stg_v, [c16, tb], vals)
        return carry

    lax.fori_loop(0, _NGRP, group, 0)

    for t in range(_DEPTH - 1):
        slot = (_B_PER_W + t) % _DEPTH
        pltpu.make_async_copy(
            tt_hbm.at[:, pl.ds(0, 128)],
            bufs[slot],
            sems[slot],
        ).wait()

    pltpu.sync_copy(stg_v, out_hbm.at[:, pl.ds(base, _B_PER_W)])


@jax.jit
def _gather(tt, idx):
    mesh = plsc.VectorSubcoreMesh(core_axis_name="c", subcore_axis_name="s")
    return pl.kernel(
        _gather_body,
        mesh=mesh,
        out_type=jax.ShapeDtypeStruct((_D, _B), jnp.float32),
        scratch_types=[
            pltpu.VMEM((_B_PER_W,), jnp.int32),
            pltpu.VMEM((_B_PER_W,), jnp.int32),
            pltpu.VMEM((_B_PER_W,), jnp.int32),
            pltpu.VMEM((_D, _B_PER_W), jnp.float32),
            pltpu.VMEM((_D, 128), jnp.float32),
            pltpu.VMEM((_D, 128), jnp.float32),
            pltpu.VMEM((_D, 128), jnp.float32),
            pltpu.VMEM((_D, 128), jnp.float32),
            pltpu.VMEM((_D, 128), jnp.float32),
            pltpu.VMEM((_D, 128), jnp.float32),
            pltpu.VMEM((_D, 128), jnp.float32),
            pltpu.VMEM((_D, 128), jnp.float32),
            pltpu.SemaphoreType.DMA,
            pltpu.SemaphoreType.DMA,
            pltpu.SemaphoreType.DMA,
            pltpu.SemaphoreType.DMA,
            pltpu.SemaphoreType.DMA,
            pltpu.SemaphoreType.DMA,
            pltpu.SemaphoreType.DMA,
            pltpu.SemaphoreType.DMA,
        ],
        compiler_params=pltpu.CompilerParams(
            use_tc_tiling_on_sc=True, needs_layout_passes=False),
    )(tt, idx)


def kernel(tensor, inds):
    out_t = _gather(tensor.T, jnp.squeeze(inds, axis=1))
    return out_t.T

# --- scband reference (transcript-rebuilt; emitter-appended) ---
"""Pipeline reference for scband-slice-49778670961120 (READ-ONLY COPY).

The authoritative reference and input builder live on the scoring server;
editing this copy changes nothing except your own understanding.
"""

import jax, jax.numpy as jnp
import numpy as np


def setup_inputs(seed: int = 0) -> dict:
    key = jax.random.key(seed)
    k1, k2 = jax.random.split(key)
    tensor = jax.random.normal(k1, (1000000, 64), dtype=jnp.float32)
    inds = jax.random.randint(k2, (16384, 1), 0, 1000000, dtype=jnp.int32)
    return {"tensor": tensor, "inds": inds}


def reference(tensor, inds):
    # Faithful translation of Slice.call:
    #   sliced = tf.gather(tensor, tf.squeeze(inds), axis=0)
    sliced = jnp.take(tensor, jnp.squeeze(inds), axis=0)
    return sliced

if __name__ == "__main__":
    import jax
    _d = setup_inputs()
    print(jax.jit(kernel)(*tuple(_d.values())))

</pallas_src>

<mosaic_0001>
#map = affine_map<(d0, d1) -> (0, 0)>
#map1 = affine_map<(d0, d1) -> (0)>
module attributes {stable_mosaic.version = 14 : i64} {
  func.func @_gather_body(%arg0: i32, %arg1: i32, %arg2: memref<64x1000000xf32, #tpu.memory_space<hbm>>, %arg3: memref<16384xi32, #tpu.memory_space<hbm>>, %arg4: memref<64x16384xf32, #tpu.memory_space<hbm>>, %arg5: memref<512xi32, #tpu.memory_space<vmem>>, %arg6: memref<512xi32, #tpu.memory_space<vmem>>, %arg7: memref<512xi32, #tpu.memory_space<vmem>>, %arg8: memref<64x512xf32, #tpu.memory_space<vmem>>, %arg9: memref<64x128xf32, #tpu.memory_space<vmem>>, %arg10: memref<64x128xf32, #tpu.memory_space<vmem>>, %arg11: memref<64x128xf32, #tpu.memory_space<vmem>>, %arg12: memref<64x128xf32, #tpu.memory_space<vmem>>, %arg13: memref<64x128xf32, #tpu.memory_space<vmem>>, %arg14: memref<64x128xf32, #tpu.memory_space<vmem>>, %arg15: memref<64x128xf32, #tpu.memory_space<vmem>>, %arg16: memref<64x128xf32, #tpu.memory_space<vmem>>, %arg17: memref<!tpu.dma_semaphore, #tpu.memory_space<semaphore_mem>>, %arg18: memref<!tpu.dma_semaphore, #tpu.memory_space<semaphore_mem>>, %arg19: memref<!tpu.dma_semaphore, #tpu.memory_space<semaphore_mem>>, %arg20: memref<!tpu.dma_semaphore, #tpu.memory_space<semaphore_mem>>, %arg21: memref<!tpu.dma_semaphore, #tpu.memory_space<semaphore_mem>>, %arg22: memref<!tpu.dma_semaphore, #tpu.memory_space<semaphore_mem>>, %arg23: memref<!tpu.dma_semaphore, #tpu.memory_space<semaphore_mem>>, %arg24: memref<!tpu.dma_semaphore, #tpu.memory_space<semaphore_mem>>) attributes {dimension_semantics = [#tpu.dimension_semantics<core_parallel>, #tpu.dimension_semantics<subcore_parallel>], iteration_bounds = array<i64: 2, 16>, scalar_prefetch = 0 : i64, scratch_operands = 20 : i64, tpu.core_type = #tpu.core_type<sc_vector_subcore>, window_params = [{transform_indices = #map}, {transform_indices = #map1}, {transform_indices = #map}]} {
    %mul3A = arith.constant 2 : i32
    %mul3A_0 = arith.muli %arg1, %mul3A : i32
    %add3A = arith.addi %mul3A_0, %arg0 : i32
    %mul3A_1 = arith.constant 512 : i32
    %mul3A_2 = arith.muli %add3A, %mul3A_1 : i32
    "tpu.region"() ({
      %run_scoped3A = tpu.sem_alloc : memref<!tpu.dma_semaphore, #tpu.memory_space<semaphore_mem>>
      %dma_start3A_110 = tpu.memref_slice %arg3[%mul3A_2] : memref<16384xi32, #tpu.memory_space<hbm>> -> memref<512xi32, #tpu.memory_space<hbm>>
      %dma_start3A_111 = tpu.memref_slice %arg3[%mul3A_2] : memref<16384xi32, #tpu.memory_space<hbm>> -> memref<512xi32, #tpu.memory_space<hbm>>
      tpu.enqueue_dma source(%dma_start3A_111 : memref<512xi32, #tpu.memory_space<hbm>>) target(%arg5 : memref<512xi32, #tpu.memory_space<vmem>>) target_semaphore(%run_scoped3A : memref<!tpu.dma_semaphore, #tpu.memory_space<semaphore_mem>>)
      %dma_wait3A_112 = tpu.memref_slice %arg3[%mul3A_2] : memref<16384xi32, #tpu.memory_space<hbm>> -> memref<512xi32, #tpu.memory_space<hbm>>
      %dma_wait3A_113 = tpu.memref_slice %arg3[%mul3A_2] : memref<16384xi32, #tpu.memory_space<hbm>> -> memref<512xi32, #tpu.memory_space<hbm>>
      tpu.wait_dma2 semaphore(%run_scoped3A : memref<!tpu.dma_semaphore, #tpu.memory_space<semaphore_mem>>) src(%dma_wait3A_113 : memref<512xi32, #tpu.memory_space<hbm>>) dst(%arg5 : memref<512xi32, #tpu.memory_space<vmem>>)
      tpu.yield
    }) : () -> ()
    %scan3A = arith.constant 0 : i32
    %scan3A_3 = arith.constant 0 : i32
    %scan3A_4 = arith.constant 32 : i32
    %scan3A_5 = arith.addi %scan3A_3, %scan3A_4 : i32
    %scan3A_6 = arith.constant 1 : i32
    scf.for %scan3A_110 = %scan3A_3 to %scan3A_5 step %scan3A_6  : i32 {
      %mul3A_111 = arith.constant 16 : i32
      %mul3A_112 = arith.muli %scan3A_110, %mul3A_111 : i32
      %get3A_113 = arith.index_cast %mul3A_112 : i32 to index
      %get3A_114 = tpu.vector_load %arg5[%get3A_113] {strides = array<i32>} : memref<512xi32, #tpu.memory_space<vmem>>, vector<16xi32>,
      %shift_right_logical3A = arith.constant 7 : i32
      %shift_right_logical3A_115 = vector.broadcast %shift_right_logical3A : i32 to vector<16xi32>
      %shift_right_logical3A_116 = arith.shrui %get3A_114, %shift_right_logical3A_115 : vector<16xi32>
      %mul3A_117 = arith.constant 16 : i32
      %mul3A_118 = arith.muli %scan3A_110, %mul3A_117 : i32
      %swap3A = arith.index_cast %mul3A_118 : i32 to index
      %swap3A_119 = tpu.vector_load %arg6[%swap3A] {strides = array<i32>} : memref<512xi32, #tpu.memory_space<vmem>>, vector<16xi32>,
      tpu.vector_store %arg6[%swap3A], %shift_right_logical3A_116 {strides = array<i32>} : memref<512xi32, #tpu.memory_space<vmem>>, vector<16xi32>,
      %and3A = arith.constant 127 : i32
      %and3A_120 = vector.broadcast %and3A : i32 to vector<16xi32>
      %and3A_121 = arith.andi %get3A_114, %and3A_120 : vector<16xi32>
      %mul3A_122 = arith.constant 16 : i32
      %mul3A_123 = arith.muli %scan3A_110, %mul3A_122 : i32
      %swap3A_124 = arith.index_cast %mul3A_123 : i32 to index
      %swap3A_125 = tpu.vector_load %arg7[%swap3A_124] {strides = array<i32>} : memref<512xi32, #tpu.memory_space<vmem>>, vector<16xi32>,
      tpu.vector_store %arg7[%swap3A_124], %and3A_121 {strides = array<i32>} : memref<512xi32, #tpu.memory_space<vmem>>, vector<16xi32>,
    }
    %scan3A_7 = arith.constant 32 : i32
    %get3A = arith.constant 0 : index
    %get3A_8 = tpu.vector_load %arg6[%get3A] {strides = array<i32>} : memref<512xi32, #tpu.memory_space<vmem>>, vector<16xi32>,
    %slice3A = vector.extract_strided_slice %get3A_8 {offsets = [0], sizes = [1], strides = [1]} : vector<16xi32> to vector<1xi32>
    %squeeze3A = vector.extract %slice3A[0] : i32 from vector<1xi32>
    %mul3A_9 = arith.constant 128 : i32
    %mul3A_10 = arith.muli %squeeze3A, %mul3A_9 : i32
    %dma_start3A = arith.constant 0 : i32
    %dma_start3A_11 = tpu.memref_slice %arg2[%dma_start3A, %mul3A_10] : memref<64x1000000xf32, #tpu.memory_space<hbm>> -> memref<64x128xf32, #tpu.memory_space<hbm>>
    %dma_start3A_12 = arith.constant 0 : i32
    %dma_start3A_13 = tpu.memref_slice %arg2[%dma_start3A_12, %mul3A_10] : memref<64x1000000xf32, #tpu.memory_space<hbm>> -> memref<64x128xf32, #tpu.memory_space<hbm>>
    tpu.enqueue_dma source(%dma_start3A_13 : memref<64x128xf32, #tpu.memory_space<hbm>>) target(%arg9 : memref<64x128xf32, #tpu.memory_space<vmem>>) target_semaphore(%arg17 : memref<!tpu.dma_semaphore, #tpu.memory_space<semaphore_mem>>)
    %slice3A_14 = vector.extract_strided_slice %get3A_8 {offsets = [1], sizes = [1], strides = [1]} : vector<16xi32> to vector<1xi32>
    %squeeze3A_15 = vector.extract %slice3A_14[0] : i32 from vector<1xi32>
    %mul3A_16 = arith.constant 128 : i32
    %mul3A_17 = arith.muli %squeeze3A_15, %mul3A_16 : i32
    %dma_start3A_18 = arith.constant 0 : i32
    %dma_start3A_19 = tpu.memref_slice %arg2[%dma_start3A_18, %mul3A_17] : memref<64x1000000xf32, #tpu.memory_space<hbm>> -> memref<64x128xf32, #tpu.memory_space<hbm>>
    %dma_start3A_20 = arith.constant 0 : i32
    %dma_start3A_21 = tpu.memref_slice %arg2[%dma_start3A_20, %mul3A_17] : memref<64x1000000xf32, #tpu.memory_space<hbm>> -> memref<64x128xf32, #tpu.memory_space<hbm>>
    tpu.enqueue_dma source(%dma_start3A_21 : memref<64x128xf32, #tpu.memory_space<hbm>>) target(%arg10 : memref<64x128xf32, #tpu.memory_space<vmem>>) target_semaphore(%arg18 : memref<!tpu.dma_semaphore, #tpu.memory_space<semaphore_mem>>)
    %slice3A_22 = vector.extract_strided_slice %get3A_8 {offsets = [2], sizes = [1], strides = [1]} : vector<16xi32> to vector<1xi32>
    %squeeze3A_23 = vector.extract %slice3A_22[0] : i32 from vector<1xi32>
    %mul3A_24 = arith.constant 128 : i32
    %mul3A_25 = arith.muli %squeeze3A_23, %mul3A_24 : i32
    %dma_start3A_26 = arith.constant 0 : i32
    %dma_start3A_27 = tpu.memref_slice %arg2[%dma_start3A_26, %mul3A_25] : memref<64x1000000xf32, #tpu.memory_space<hbm>> -> memref<64x128xf32, #tpu.memory_space<hbm>>
    %dma_start3A_28 = arith.constant 0 : i32
    %dma_start3A_29 = tpu.memref_slice %arg2[%dma_start3A_28, %mul3A_25] : memref<64x1000000xf32, #tpu.memory_space<hbm>> -> memref<64x128xf32, #tpu.memory_space<hbm>>
    tpu.enqueue_dma source(%dma_start3A_29 : memref<64x128xf32, #tpu.memory_space<hbm>>) target(%arg11 : memref<64x128xf32, #tpu.memory_space<vmem>>) target_semaphore(%arg19 : memref<!tpu.dma_semaphore, #tpu.memory_space<semaphore_mem>>)
    %slice3A_30 = vector.extract_strided_slice %get3A_8 {offsets = [3], sizes = [1], strides = [1]} : vector<16xi32> to vector<1xi32>
    %squeeze3A_31 = vector.extract %slice3A_30[0] : i32 from vector<1xi32>
    %mul3A_32 = arith.constant 128 : i32
    %mul3A_33 = arith.muli %squeeze3A_31, %mul3A_32 : i32
    %dma_start3A_34 = arith.constant 0 : i32
    %dma_start3A_35 = tpu.memref_slice %arg2[%dma_start3A_34, %mul3A_33] : memref<64x1000000xf32, #tpu.memory_space<hbm>> -> memref<64x128xf32, #tpu.memory_space<hbm>>
    %dma_start3A_36 = arith.constant 0 : i32
    %dma_start3A_37 = tpu.memref_slice %arg2[%dma_start3A_36, %mul3A_33] : memref<64x1000000xf32, #tpu.memory_space<hbm>> -> memref<64x128xf32, #tpu.memory_space<hbm>>
    tpu.enqueue_dma source(%dma_start3A_37 : memref<64x128xf32, #tpu.memory_space<hbm>>) target(%arg12 : memref<64x128xf32, #tpu.memory_space<vmem>>) target_semaphore(%arg20 : memref<!tpu.dma_semaphore, #tpu.memory_space<semaphore_mem>>)
    %slice3A_38 = vector.extract_strided_slice %get3A_8 {offsets = [4], sizes = [1], strides = [1]} : vector<16xi32> to vector<1xi32>
    %squeeze3A_39 = vector.extract %slice3A_38[0] : i32 from vector<1xi32>
    %mul3A_40 = arith.constant 128 : i32
    %mul3A_41 = arith.muli %squeeze3A_39, %mul3A_40 : i32
    %dma_start3A_42 = arith.constant 0 : i32
    %dma_start3A_43 = tpu.memref_slice %arg2[%dma_start3A_42, %mul3A_41] : memref<64x1000000xf32, #tpu.memory_space<hbm>> -> memref<64x128xf32, #tpu.memory_space<hbm>>
    %dma_start3A_44 = arith.constant 0 : i32
    %dma_start3A_45 = tpu.memref_slice %arg2[%dma_start3A_44, %mul3A_41] : memref<64x1000000xf32, #tpu.memory_space<hbm>> -> memref<64x128xf32, #tpu.memory_space<hbm>>
    tpu.enqueue_dma source(%dma_start3A_45 : memref<64x128xf32, #tpu.memory_space<hbm>>) target(%arg13 : memref<64x128xf32, #tpu.memory_space<vmem>>) target_semaphore(%arg21 : memref<!tpu.dma_semaphore, #tpu.memory_space<semaphore_mem>>)
    %slice3A_46 = vector.extract_strided_slice %get3A_8 {offsets = [5], sizes = [1], strides = [1]} : vector<16xi32> to vector<1xi32>
    %squeeze3A_47 = vector.extract %slice3A_46[0] : i32 from vector<1xi32>
    %mul3A_48 = arith.constant 128 : i32
    %mul3A_49 = arith.muli %squeeze3A_47, %mul3A_48 : i32
    %dma_start3A_50 = arith.constant 0 : i32
    %dma_start3A_51 = tpu.memref_slice %arg2[%dma_start3A_50, %mul3A_49] : memref<64x1000000xf32, #tpu.memory_space<hbm>> -> memref<64x128xf32, #tpu.memory_space<hbm>>
    %dma_start3A_52 = arith.constant 0 : i32
    %dma_start3A_53 = tpu.memref_slice %arg2[%dma_start3A_52, %mul3A_49] : memref<64x1000000xf32, #tpu.memory_space<hbm>> -> memref<64x128xf32, #tpu.memory_space<hbm>>
    tpu.enqueue_dma source(%dma_start3A_53 : memref<64x128xf32, #tpu.memory_space<hbm>>) target(%arg14 : memref<64x128xf32, #tpu.memory_space<vmem>>) target_semaphore(%arg22 : memref<!tpu.dma_semaphore, #tpu.memory_space<semaphore_mem>>)
    %slice3A_54 = vector.extract_strided_slice %get3A_8 {offsets = [6], sizes = [1], strides = [1]} : vector<16xi32> to vector<1xi32>
    %squeeze3A_55 = vector.extract %slice3A_54[0] : i32 from vector<1xi32>
    %mul3A_56 = arith.constant 128 : i32
    %mul3A_57 = arith.muli %squeeze3A_55, %mul3A_56 : i32
    %dma_start3A_58 = arith.constant 0 : i32
    %dma_start3A_59 = tpu.memref_slice %arg2[%dma_start3A_58, %mul3A_57] : memref<64x1000000xf32, #tpu.memory_space<hbm>> -> memref<64x128xf32, #tpu.memory_space<hbm>>
    %dma_start3A_60 = arith.constant 0 : i32
    %dma_start3A_61 = tpu.memref_slice %arg2[%dma_start3A_60, %mul3A_57] : memref<64x1000000xf32, #tpu.memory_space<hbm>> -> memref<64x128xf32, #tpu.memory_space<hbm>>
    tpu.enqueue_dma source(%dma_start3A_61 : memref<64x128xf32, #tpu.memory_space<hbm>>) target(%arg15 : memref<64x128xf32, #tpu.memory_space<vmem>>) target_semaphore(%arg23 : memref<!tpu.dma_semaphore, #tpu.memory_space<semaphore_mem>>)
    %iota3A = tpu.iota {dimensions = array<i32: 0>} : vector<16xi32>
    %broadcast_in_dim3A = arith.constant 0 : i32
    %broadcast_in_dim3A_62 = vector.broadcast %broadcast_in_dim3A : i32 to vector<16xi32>
    %scan3A_63 = arith.constant 0 : i32
    %scan3A_64 = arith.constant 0 : i32
    %scan3A_65 = arith.constant 32 : i32
    %scan3A_66 = arith.addi %scan3A_64, %scan3A_65 : i32
    %scan3A_67 = arith.constant 1 : i32
    scf.for %scan3A_110 = %scan3A_64 to %scan3A_66 step %scan3A_67  : i32 {
      %mul3A_111 = arith.constant 16 : i32
      %mul3A_112 = arith.muli %scan3A_110, %mul3A_111 : i32
      %get3A_113 = arith.index_cast %mul3A_112 : i32 to index
      %get3A_114 = tpu.vector_load %arg6[%get3A_113] {strides = array<i32>} : memref<512xi32, #tpu.memory_space<vmem>>, vector<16xi32>,
      %mul3A_115 = arith.constant 16 : i32
      %mul3A_116 = arith.muli %scan3A_110, %mul3A_115 : i32
      %get3A_117 = arith.index_cast %mul3A_116 : i32 to index
      %get3A_118 = tpu.vector_load %arg7[%get3A_117] {strides = array<i32>} : memref<512xi32, #tpu.memory_space<vmem>>, vector<16xi32>,
      %add3A_119 = arith.constant 1 : i32
      %add3A_120 = arith.addi %scan3A_110, %add3A_119 : i32
      %min3A = arith.constant 31 : i32
      %min3A_121 = arith.minsi %add3A_120, %min3A : i32
      %mul3A_122 = arith.constant 16 : i32
      %mul3A_123 = arith.muli %min3A_121, %mul3A_122 : i32
      %get3A_124 = arith.index_cast %mul3A_123 : i32 to index
      %get3A_125 = tpu.vector_load %arg6[%get3A_124] {strides = array<i32>} : memref<512xi32, #tpu.memory_space<vmem>>, vector<16xi32>,
      %slice3A_126 = vector.extract_strided_slice %get3A_114 {offsets = [7], sizes = [1], strides = [1]} : vector<16xi32> to vector<1xi32>
      %squeeze3A_127 = vector.extract %slice3A_126[0] : i32 from vector<1xi32>
      %mul3A_128 = arith.constant 128 : i32
      %mul3A_129 = arith.muli %squeeze3A_127, %mul3A_128 : i32
      %dma_start3A_130 = arith.constant 0 : i32
      %dma_start3A_131 = tpu.memref_slice %arg2[%dma_start3A_130, %mul3A_129] : memref<64x1000000xf32, #tpu.memory_space<hbm>> -> memref<64x128xf32, #tpu.memory_space<hbm>>
      %dma_start3A_132 = arith.constant 0 : i32
      %dma_start3A_133 = tpu.memref_slice %arg2[%dma_start3A_132, %mul3A_129] : memref<64x1000000xf32, #tpu.memory_space<hbm>> -> memref<64x128xf32, #tpu.memory_space<hbm>>
      tpu.enqueue_dma source(%dma_start3A_133 : memref<64x128xf32, #tpu.memory_space<hbm>>) target(%arg16 : memref<64x128xf32, #tpu.memory_space<vmem>>) target_semaphore(%arg24 : memref<!tpu.dma_semaphore, #tpu.memory_space<semaphore_mem>>)
      %dma_wait3A_134 = arith.constant 0 : i32
      %dma_wait3A_135 = arith.constant 0 : i32
      %dma_wait3A_136 = tpu.memref_slice %arg2[%dma_wait3A_134, %dma_wait3A_135] : memref<64x1000000xf32, #tpu.memory_space<hbm>> -> memref<64x128xf32, #tpu.memory_space<hbm>>
      %dma_wait3A_137 = arith.constant 0 : i32
      %dma_wait3A_138 = arith.constant 0 : i32
      %dma_wait3A_139 = tpu.memref_slice %arg2[%dma_wait3A_137, %dma_wait3A_138] : memref<64x1000000xf32, #tpu.memory_space<hbm>> -> memref<64x128xf32, #tpu.memory_space<hbm>>
      tpu.wait_dma2 semaphore(%arg17 : memref<!tpu.dma_semaphore, #tpu.memory_space<semaphore_mem>>) src(%dma_wait3A_139 : memref<64x128xf32, #tpu.memory_space<hbm>>) dst(%arg9 : memref<64x128xf32, #tpu.memory_space<vmem>>)
      %slice3A_140 = vector.extract_strided_slice %get3A_118 {offsets = [0], sizes = [1], strides = [1]} : vector<16xi32> to vector<1xi32>
      %squeeze3A_141 = vector.extract %slice3A_140[0] : i32 from vector<1xi32>
      %add3A_142 = vector.broadcast %squeeze3A_141 : i32 to vector<16xi32>
      %add3A_143 = arith.addi %broadcast_in_dim3A_62, %add3A_142 : vector<16xi32>
      %mul3A_144 = arith.constant 16 : i32
      %mul3A_145 = arith.muli %scan3A_110, %mul3A_144 : i32
      %add3A_146 = arith.constant 0 : i32
      %add3A_147 = arith.addi %mul3A_145, %add3A_146 : i32
      %add3A_148 = vector.broadcast %add3A_147 : i32 to vector<16xi32>
      %add3A_149 = arith.addi %broadcast_in_dim3A_62, %add3A_148 : vector<16xi32>
      %add3A_150 = arith.constant 0 : i32
      %add3A_151 = vector.broadcast %add3A_150 : i32 to vector<16xi32>
      %add3A_152 = arith.addi %iota3A, %add3A_151 : vector<16xi32>
      %gather3A = tpu.vector_load_idx %arg9[%add3A_152, %add3A_143] : memref<64x128xf32, #tpu.memory_space<vmem>>[vector<16xi32>, vector<16xi32>], vector<16xf32>,
      tpu.vector_store_idx %arg8[%add3A_152, %add3A_149], %gather3A : memref<64x512xf32, #tpu.memory_space<vmem>>[vector<16xi32>, vector<16xi32>], vector<16xf32>,
      %add3A_153 = arith.constant 16 : i32
      %add3A_154 = vector.broadcast %add3A_153 : i32 to vector<16xi32>
      %add3A_155 = arith.addi %iota3A, %add3A_154 : vector<16xi32>
      %gather3A_156 = tpu.vector_load_idx %arg9[%add3A_155, %add3A_143] : memref<64x128xf32, #tpu.memory_space<vmem>>[vector<16xi32>, vector<16xi32>], vector<16xf32>,
      tpu.vector_store_idx %arg8[%add3A_155, %add3A_149], %gather3A_156 : memref<64x512xf32, #tpu.memory_space<vmem>>[vector<16xi32>, vector<16xi32>], vector<16xf32>,
      %add3A_157 = arith.constant 32 : i32
      %add3A_158 = vector.broadcast %add3A_157 : i32 to vector<16xi32>
      %add3A_159 = arith.addi %iota3A, %add3A_158 : vector<16xi32>
      %gather3A_160 = tpu.vector_load_idx %arg9[%add3A_159, %add3A_143] : memref<64x128xf32, #tpu.memory_space<vmem>>[vector<16xi32>, vector<16xi32>], vector<16xf32>,
      tpu.vector_store_idx %arg8[%add3A_159, %add3A_149], %gather3A_160 : memref<64x512xf32, #tpu.memory_space<vmem>>[vector<16xi32>, vector<16xi32>], vector<16xf32>,
      %add3A_161 = arith.constant 48 : i32
      %add3A_162 = vector.broadcast %add3A_161 : i32 to vector<16xi32>
      %add3A_163 = arith.addi %iota3A, %add3A_162 : vector<16xi32>
      %gather3A_164 = tpu.vector_load_idx %arg9[%add3A_163, %add3A_143] : memref<64x128xf32, #tpu.memory_space<vmem>>[vector<16xi32>, vector<16xi32>], vector<16xf32>,
      tpu.vector_store_idx %arg8[%add3A_163, %add3A_149], %gather3A_164 : memref<64x512xf32, #tpu.memory_space<vmem>>[vector<16xi32>, vector<16xi32>], vector<16xf32>,
      %slice3A_165 = vector.extract_strided_slice %get3A_114 {offsets = [8], sizes = [1], strides = [1]} : vector<16xi32> to vector<1xi32>
      %squeeze3A_166 = vector.extract %slice3A_165[0] : i32 from vector<1xi32>
      %mul3A_167 = arith.constant 128 : i32
      %mul3A_168 = arith.muli %squeeze3A_166, %mul3A_167 : i32
      %dma_start3A_169 = arith.constant 0 : i32
      %dma_start3A_170 = tpu.memref_slice %arg2[%dma_start3A_169, %mul3A_168] : memref<64x1000000xf32, #tpu.memory_space<hbm>> -> memref<64x128xf32, #tpu.memory_space<hbm>>
      %dma_start3A_171 = arith.constant 0 : i32
      %dma_start3A_172 = tpu.memref_slice %arg2[%dma_start3A_171, %mul3A_168] : memref<64x1000000xf32, #tpu.memory_space<hbm>> -> memref<64x128xf32, #tpu.memory_space<hbm>>
      tpu.enqueue_dma source(%dma_start3A_172 : memref<64x128xf32, #tpu.memory_space<hbm>>) target(%arg9 : memref<64x128xf32, #tpu.memory_space<vmem>>) target_semaphore(%arg17 : memref<!tpu.dma_semaphore, #tpu.memory_space<semaphore_mem>>)
      %dma_wait3A_173 = arith.constant 0 : i32
      %dma_wait3A_174 = arith.constant 0 : i32
      %dma_wait3A_175 = tpu.memref_slice %arg2[%dma_wait3A_173, %dma_wait3A_174] : memref<64x1000000xf32, #tpu.memory_space<hbm>> -> memref<64x128xf32, #tpu.memory_space<hbm>>
      %dma_wait3A_176 = arith.constant 0 : i32
      %dma_wait3A_177 = arith.constant 0 : i32
      %dma_wait3A_178 = tpu.memref_slice %arg2[%dma_wait3A_176, %dma_wait3A_177] : memref<64x1000000xf32, #tpu.memory_space<hbm>> -> memref<64x128xf32, #tpu.memory_space<hbm>>
      tpu.wait_dma2 semaphore(%arg18 : memref<!tpu.dma_semaphore, #tpu.memory_space<semaphore_mem>>) src(%dma_wait3A_178 : memref<64x128xf32, #tpu.memory_space<hbm>>) dst(%arg10 : memref<64x128xf32, #tpu.memory_space<vmem>>)
      %slice3A_179 = vector.extract_strided_slice %get3A_118 {offsets = [1], sizes = [1], strides = [1]} : vector<16xi32> to vector<1xi32>
      %squeeze3A_180 = vector.extract %slice3A_179[0] : i32 from vector<1xi32>
      %add3A_181 = vector.broadcast %squeeze3A_180 : i32 to vector<16xi32>
      %add3A_182 = arith.addi %broadcast_in_dim3A_62, %add3A_181 : vector<16xi32>
      %mul3A_183 = arith.constant 16 : i32
      %mul3A_184 = arith.muli %scan3A_110, %mul3A_183 : i32
      %add3A_185 = arith.constant 1 : i32
      %add3A_186 = arith.addi %mul3A_184, %add3A_185 : i32
      %add3A_187 = vector.broadcast %add3A_186 : i32 to vector<16xi32>
      %add3A_188 = arith.addi %broadcast_in_dim3A_62, %add3A_187 : vector<16xi32>
      %add3A_189 = arith.constant 0 : i32
      %add3A_190 = vector.broadcast %add3A_189 : i32 to vector<16xi32>
      %add3A_191 = arith.addi %iota3A, %add3A_190 : vector<16xi32>
      %gather3A_192 = tpu.vector_load_idx %arg10[%add3A_191, %add3A_182] : memref<64x128xf32, #tpu.memory_space<vmem>>[vector<16xi32>, vector<16xi32>], vector<16xf32>,
      tpu.vector_store_idx %arg8[%add3A_191, %add3A_188], %gather3A_192 : memref<64x512xf32, #tpu.memory_space<vmem>>[vector<16xi32>, vector<16xi32>], vector<16xf32>,
      %add3A_193 = arith.constant 16 : i32
      %add3A_194 = vector.broadcast %add3A_193 : i32 to vector<16xi32>
      %add3A_195 = arith.addi %iota3A, %add3A_194 : vector<16xi32>
      %gather3A_196 = tpu.vector_load_idx %arg10[%add3A_195, %add3A_182] : memref<64x128xf32, #tpu.memory_space<vmem>>[vector<16xi32>, vector<16xi32>], vector<16xf32>,
      tpu.vector_store_idx %arg8[%add3A_195, %add3A_188], %gather3A_196 : memref<64x512xf32, #tpu.memory_space<vmem>>[vector<16xi32>, vector<16xi32>], vector<16xf32>,
      %add3A_197 = arith.constant 32 : i32
      %add3A_198 = vector.broadcast %add3A_197 : i32 to vector<16xi32>
      %add3A_199 = arith.addi %iota3A, %add3A_198 : vector<16xi32>
      %gather3A_200 = tpu.vector_load_idx %arg10[%add3A_199, %add3A_182] : memref<64x128xf32, #tpu.memory_space<vmem>>[vector<16xi32>, vector<16xi32>], vector<16xf32>,
      tpu.vector_store_idx %arg8[%add3A_199, %add3A_188], %gather3A_200 : memref<64x512xf32, #tpu.memory_space<vmem>>[vector<16xi32>, vector<16xi32>], vector<16xf32>,
      %add3A_201 = arith.constant 48 : i32
      %add3A_202 = vector.broadcast %add3A_201 : i32 to vector<16xi32>
      %add3A_203 = arith.addi %iota3A, %add3A_202 : vector<16xi32>
      %gather3A_204 = tpu.vector_load_idx %arg10[%add3A_203, %add3A_182] : memref<64x128xf32, #tpu.memory_space<vmem>>[vector<16xi32>, vector<16xi32>], vector<16xf32>,
      tpu.vector_store_idx %arg8[%add3A_203, %add3A_188], %gather3A_204 : memref<64x512xf32, #tpu.memory_space<vmem>>[vector<16xi32>, vector<16xi32>], vector<16xf32>,
      %slice3A_205 = vector.extract_strided_slice %get3A_114 {offsets = [9], sizes = [1], strides = [1]} : vector<16xi32> to vector<1xi32>
      %squeeze3A_206 = vector.extract %slice3A_205[0] : i32 from vector<1xi32>
      %mul3A_207 = arith.constant 128 : i32
      %mul3A_208 = arith.muli %squeeze3A_206, %mul3A_207 : i32
      %dma_start3A_209 = arith.constant 0 : i32
      %dma_start3A_210 = tpu.memref_slice %arg2[%dma_start3A_209, %mul3A_208] : memref<64x1000000xf32, #tpu.memory_space<hbm>> -> memref<64x128xf32, #tpu.memory_space<hbm>>
      %dma_start3A_211 = arith.constant 0 : i32
      %dma_start3A_212 = tpu.memref_slice %arg2[%dma_start3A_211, %mul3A_208] : memref<64x1000000xf32, #tpu.memory_space<hbm>> -> memref<64x128xf32, #tpu.memory_space<hbm>>
      tpu.enqueue_dma source(%dma_start3A_212 : memref<64x128xf32, #tpu.memory_space<hbm>>) target(%arg10 : memref<64x128xf32, #tpu.memory_space<vmem>>) target_semaphore(%arg18 : memref<!tpu.dma_semaphore, #tpu.memory_space<semaphore_mem>>)
      %dma_wait3A_213 = arith.constant 0 : i32
      %dma_wait3A_214 = arith.constant 0 : i32
      %dma_wait3A_215 = tpu.memref_slice %arg2[%dma_wait3A_213, %dma_wait3A_214] : memref<64x1000000xf32, #tpu.memory_space<hbm>> -> memref<64x128xf32, #tpu.memory_space<hbm>>
      %dma_wait3A_216 = arith.constant 0 : i32
      %dma_wait3A_217 = arith.constant 0 : i32
      %dma_wait3A_218 = tpu.memref_slice %arg2[%dma_wait3A_216, %dma_wait3A_217] : memref<64x1000000xf32, #tpu.memory_space<hbm>> -> memref<64x128xf32, #tpu.memory_space<hbm>>
      tpu.wait_dma2 semaphore(%arg19 : memref<!tpu.dma_semaphore, #tpu.memory_space<semaphore_mem>>) src(%dma_wait3A_218 : memref<64x128xf32, #tpu.memory_space<hbm>>) dst(%arg11 : memref<64x128xf32, #tpu.memory_space<vmem>>)
      %slice3A_219 = vector.extract_strided_slice %get3A_118 {offsets = [2], sizes = [1], strides = [1]} : vector<16xi32> to vector<1xi32>
      %squeeze3A_220 = vector.extract %slice3A_219[0] : i32 from vector<1xi32>
      %add3A_221 = vector.broadcast %squeeze3A_220 : i32 to vector<16xi32>
      %add3A_222 = arith.addi %broadcast_in_dim3A_62, %add3A_221 : vector<16xi32>
      %mul3A_223 = arith.constant 16 : i32
      %mul3A_224 = arith.muli %scan3A_110, %mul3A_223 : i32
      %add3A_225 = arith.constant 2 : i32
      %add3A_226 = arith.addi %mul3A_224, %add3A_225 : i32
      %add3A_227 = vector.broadcast %add3A_226 : i32 to vector<16xi32>
      %add3A_228 = arith.addi %broadcast_in_dim3A_62, %add3A_227 : vector<16xi32>
      %add3A_229 = arith.constant 0 : i32
      %add3A_230 = vector.broadcast %add3A_229 : i32 to vector<16xi32>
      %add3A_231 = arith.addi %iota3A, %add3A_230 : vector<16xi32>
      %gather3A_232 = tpu.vector_load_idx %arg11[%add3A_231, %add3A_222] : memref<64x128xf32, #tpu.memory_space<vmem>>[vector<16xi32>, vector<16xi32>], vector<16xf32>,
      tpu.vector_store_idx %arg8[%add3A_231, %add3A_228], %gather3A_232 : memref<64x512xf32, #tpu.memory_space<vmem>>[vector<16xi32>, vector<16xi32>], vector<16xf32>,
      %add3A_233 = arith.constant 16 : i32
      %add3A_234 = vector.broadcast %add3A_233 : i32 to vector<16xi32>
      %add3A_235 = arith.addi %iota3A, %add3A_234 : vector<16xi32>
      %gather3A_236 = tpu.vector_load_idx %arg11[%add3A_235, %add3A_222] : memref<64x128xf32, #tpu.memory_space<vmem>>[vector<16xi32>, vector<16xi32>], vector<16xf32>,
      tpu.vector_store_idx %arg8[%add3A_235, %add3A_228], %gather3A_236 : memref<64x512xf32, #tpu.memory_space<vmem>>[vector<16xi32>, vector<16xi32>], vector<16xf32>,
      %add3A_237 = arith.constant 32 : i32
      %add3A_238 = vector.broadcast %add3A_237 : i32 to vector<16xi32>
      %add3A_239 = arith.addi %iota3A, %add3A_238 : vector<16xi32>
      %gather3A_240 = tpu.vector_load_idx %arg11[%add3A_239, %add3A_222] : memref<64x128xf32, #tpu.memory_space<vmem>>[vector<16xi32>, vector<16xi32>], vector<16xf32>,
      tpu.vector_store_idx %arg8[%add3A_239, %add3A_228], %gather3A_240 : memref<64x512xf32, #tpu.memory_space<vmem>>[vector<16xi32>, vector<16xi32>], vector<16xf32>,
      %add3A_241 = arith.constant 48 : i32
      %add3A_242 = vector.broadcast %add3A_241 : i32 to vector<16xi32>
      %add3A_243 = arith.addi %iota3A, %add3A_242 : vector<16xi32>
      %gather3A_244 = tpu.vector_load_idx %arg11[%add3A_243, %add3A_222] : memref<64x128xf32, #tpu.memory_space<vmem>>[vector<16xi32>, vector<16xi32>], vector<16xf32>,
      tpu.vector_store_idx %arg8[%add3A_243, %add3A_228], %gather3A_244 : memref<64x512xf32, #tpu.memory_space<vmem>>[vector<16xi32>, vector<16xi32>], vector<16xf32>,
      %slice3A_245 = vector.extract_strided_slice %get3A_114 {offsets = [10], sizes = [1], strides = [1]} : vector<16xi32> to vector<1xi32>
      %squeeze3A_246 = vector.extract %slice3A_245[0] : i32 from vector<1xi32>
      %mul3A_247 = arith.constant 128 : i32
      %mul3A_248 = arith.muli %squeeze3A_246, %mul3A_247 : i32
      %dma_start3A_249 = arith.constant 0 : i32
      %dma_start3A_250 = tpu.memref_slice %arg2[%dma_start3A_249, %mul3A_248] : memref<64x1000000xf32, #tpu.memory_space<hbm>> -> memref<64x128xf32, #tpu.memory_space<hbm>>
      %dma_start3A_251 = arith.constant 0 : i32
      %dma_start3A_252 = tpu.memref_slice %arg2[%dma_start3A_251, %mul3A_248] : memref<64x1000000xf32, #tpu.memory_space<hbm>> -> memref<64x128xf32, #tpu.memory_space<hbm>>
      tpu.enqueue_dma source(%dma_start3A_252 : memref<64x128xf32, #tpu.memory_space<hbm>>) target(%arg11 : memref<64x128xf32, #tpu.memory_space<vmem>>) target_semaphore(%arg19 : memref<!tpu.dma_semaphore, #tpu.memory_space<semaphore_mem>>)
      %dma_wait3A_253 = arith.constant 0 : i32
      %dma_wait3A_254 = arith.constant 0 : i32
      %dma_wait3A_255 = tpu.memref_slice %arg2[%dma_wait3A_253, %dma_wait3A_254] : memref<64x1000000xf32, #tpu.memory_space<hbm>> -> memref<64x128xf32, #tpu.memory_space<hbm>>
      %dma_wait3A_256 = arith.constant 0 : i32
      %dma_wait3A_257 = arith.constant 0 : i32
      %dma_wait3A_258 = tpu.memref_slice %arg2[%dma_wait3A_256, %dma_wait3A_257] : memref<64x1000000xf32, #tpu.memory_space<hbm>> -> memref<64x128xf32, #tpu.memory_space<hbm>>
      tpu.wait_dma2 semaphore(%arg20 : memref<!tpu.dma_semaphore, #tpu.memory_space<semaphore_mem>>) src(%dma_wait3A_258 : memref<64x128xf32, #tpu.memory_space<hbm>>) dst(%arg12 : memref<64x128xf32, #tpu.memory_space<vmem>>)
      %slice3A_259 = vector.extract_strided_slice %get3A_118 {offsets = [3], sizes = [1], strides = [1]} : vector<16xi32> to vector<1xi32>
      %squeeze3A_260 = vector.extract %slice3A_259[0] : i32 from vector<1xi32>
      %add3A_261 = vector.broadcast %squeeze3A_260 : i32 to vector<16xi32>
      %add3A_262 = arith.addi %broadcast_in_dim3A_62, %add3A_261 : vector<16xi32>
      %mul3A_263 = arith.constant 16 : i32
      %mul3A_264 = arith.muli %scan3A_110, %mul3A_263 : i32
      %add3A_265 = arith.constant 3 : i32
      %add3A_266 = arith.addi %mul3A_264, %add3A_265 : i32
      %add3A_267 = vector.broadcast %add3A_266 : i32 to vector<16xi32>
      %add3A_268 = arith.addi %broadcast_in_dim3A_62, %add3A_267 : vector<16xi32>
      %add3A_269 = arith.constant 0 : i32
      %add3A_270 = vector.broadcast %add3A_269 : i32 to vector<16xi32>
      %add3A_271 = arith.addi %iota3A, %add3A_270 : vector<16xi32>
      %gather3A_272 = tpu.vector_load_idx %arg12[%add3A_271, %add3A_262] : memref<64x128xf32, #tpu.memory_space<vmem>>[vector<16xi32>, vector<16xi32>], vector<16xf32>,
      tpu.vector_store_idx %arg8[%add3A_271, %add3A_268], %gather3A_272 : memref<64x512xf32, #tpu.memory_space<vmem>>[vector<16xi32>, vector<16xi32>], vector<16xf32>,
      %add3A_273 = arith.constant 16 : i32
      %add3A_274 = vector.broadcast %add3A_273 : i32 to vector<16xi32>
      %add3A_275 = arith.addi %iota3A, %add3A_274 : vector<16xi32>
      %gather3A_276 = tpu.vector_load_idx %arg12[%add3A_275, %add3A_262] : memref<64x128xf32, #tpu.memory_space<vmem>>[vector<16xi32>, vector<16xi32>], vector<16xf32>,
      tpu.vector_store_idx %arg8[%add3A_275, %add3A_268], %gather3A_276 : memref<64x512xf32, #tpu.memory_space<vmem>>[vector<16xi32>, vector<16xi32>], vector<16xf32>,
      %add3A_277 = arith.constant 32 : i32
      %add3A_278 = vector.broadcast %add3A_277 : i32 to vector<16xi32>
      %add3A_279 = arith.addi %iota3A, %add3A_278 : vector<16xi32>
      %gather3A_280 = tpu.vector_load_idx %arg12[%add3A_279, %add3A_262] : memref<64x128xf32, #tpu.memory_space<vmem>>[vector<16xi32>, vector<16xi32>], vector<16xf32>,
      tpu.vector_store_idx %arg8[%add3A_279, %add3A_268], %gather3A_280 : memref<64x512xf32, #tpu.memory_space<vmem>>[vector<16xi32>, vector<16xi32>], vector<16xf32>,
      %add3A_281 = arith.constant 48 : i32
      %add3A_282 = vector.broadcast %add3A_281 : i32 to vector<16xi32>
      %add3A_283 = arith.addi %iota3A, %add3A_282 : vector<16xi32>
      %gather3A_284 = tpu.vector_load_idx %arg12[%add3A_283, %add3A_262] : memref<64x128xf32, #tpu.memory_space<vmem>>[vector<16xi32>, vector<16xi32>], vector<16xf32>,
      tpu.vector_store_idx %arg8[%add3A_283, %add3A_268], %gather3A_284 : memref<64x512xf32, #tpu.memory_space<vmem>>[vector<16xi32>, vector<16xi32>], vector<16xf32>,
      %slice3A_285 = vector.extract_strided_slice %get3A_114 {offsets = [11], sizes = [1], strides = [1]} : vector<16xi32> to vector<1xi32>
      %squeeze3A_286 = vector.extract %slice3A_285[0] : i32 from vector<1xi32>
      %mul3A_287 = arith.constant 128 : i32
      %mul3A_288 = arith.muli %squeeze3A_286, %mul3A_287 : i32
      %dma_start3A_289 = arith.constant 0 : i32
      %dma_start3A_290 = tpu.memref_slice %arg2[%dma_start3A_289, %mul3A_288] : memref<64x1000000xf32, #tpu.memory_space<hbm>> -> memref<64x128xf32, #tpu.memory_space<hbm>>
      %dma_start3A_291 = arith.constant 0 : i32
      %dma_start3A_292 = tpu.memref_slice %arg2[%dma_start3A_291, %mul3A_288] : memref<64x1000000xf32, #tpu.memory_space<hbm>> -> memref<64x128xf32, #tpu.memory_space<hbm>>
      tpu.enqueue_dma source(%dma_start3A_292 : memref<64x128xf32, #tpu.memory_space<hbm>>) target(%arg12 : memref<64x128xf32, #tpu.memory_space<vmem>>) target_semaphore(%arg20 : memref<!tpu.dma_semaphore, #tpu.memory_space<semaphore_mem>>)
      %dma_wait3A_293 = arith.constant 0 : i32
      %dma_wait3A_294 = arith.constant 0 : i32
      %dma_wait3A_295 = tpu.memref_slice %arg2[%dma_wait3A_293, %dma_wait3A_294] : memref<64x1000000xf32, #tpu.memory_space<hbm>> -> memref<64x128xf32, #tpu.memory_space<hbm>>
      %dma_wait3A_296 = arith.constant 0 : i32
      %dma_wait3A_297 = arith.constant 0 : i32
      %dma_wait3A_298 = tpu.memref_slice %arg2[%dma_wait3A_296, %dma_wait3A_297] : memref<64x1000000xf32, #tpu.memory_space<hbm>> -> memref<64x128xf32, #tpu.memory_space<hbm>>
      tpu.wait_dma2 semaphore(%arg21 : memref<!tpu.dma_semaphore, #tpu.memory_space<semaphore_mem>>) src(%dma_wait3A_298 : memref<64x128xf32, #tpu.memory_space<hbm>>) dst(%arg13 : memref<64x128xf32, #tpu.memory_space<vmem>>)
      %slice3A_299 = vector.extract_strided_slice %get3A_118 {offsets = [4], sizes = [1], strides = [1]} : vector<16xi32> to vector<1xi32>
      %squeeze3A_300 = vector.extract %slice3A_299[0] : i32 from vector<1xi32>
      %add3A_301 = vector.broadcast %squeeze3A_300 : i32 to vector<16xi32>
      %add3A_302 = arith.addi %broadcast_in_dim3A_62, %add3A_301 : vector<16xi32>
      %mul3A_303 = arith.constant 16 : i32
      %mul3A_304 = arith.muli %scan3A_110, %mul3A_303 : i32
      %add3A_305 = arith.constant 4 : i32
      %add3A_306 = arith.addi %mul3A_304, %add3A_305 : i32
      %add3A_307 = vector.broadcast %add3A_306 : i32 to vector<16xi32>
      %add3A_308 = arith.addi %broadcast_in_dim3A_62, %add3A_307 : vector<16xi32>
      %add3A_309 = arith.constant 0 : i32
      %add3A_310 = vector.broadcast %add3A_309 : i32 to vector<16xi32>
      %add3A_311 = arith.addi %iota3A, %add3A_310 : vector<16xi32>
      %gather3A_312 = tpu.vector_load_idx %arg13[%add3A_311, %add3A_302] : memref<64x128xf32, #tpu.memory_space<vmem>>[vector<16xi32>, vector<16xi32>], vector<16xf32>,
      tpu.vector_store_idx %arg8[%add3A_311, %add3A_308], %gather3A_312 : memref<64x512xf32, #tpu.memory_space<vmem>>[vector<16xi32>, vector<16xi32>], vector<16xf32>,
      %add3A_313 = arith.constant 16 : i32
      %add3A_314 = vector.broadcast %add3A_313 : i32 to vector<16xi32>
      %add3A_315 = arith.addi %iota3A, %add3A_314 : vector<16xi32>
      %gather3A_316 = tpu.vector_load_idx %arg13[%add3A_315, %add3A_302] : memref<64x128xf32, #tpu.memory_space<vmem>>[vector<16xi32>, vector<16xi32>], vector<16xf32>,
      tpu.vector_store_idx %arg8[%add3A_315, %add3A_308], %gather3A_316 : memref<64x512xf32, #tpu.memory_space<vmem>>[vector<16xi32>, vector<16xi32>], vector<16xf32>,
      %add3A_317 = arith.constant 32 : i32
      %add3A_318 = vector.broadcast %add3A_317 : i32 to vector<16xi32>
      %add3A_319 = arith.addi %iota3A, %add3A_318 : vector<16xi32>
      %gather3A_320 = tpu.vector_load_idx %arg13[%add3A_319, %add3A_302] : memref<64x128xf32, #tpu.memory_space<vmem>>[vector<16xi32>, vector<16xi32>], vector<16xf32>,
      tpu.vector_store_idx %arg8[%add3A_319, %add3A_308], %gather3A_320 : memref<64x512xf32, #tpu.memory_space<vmem>>[vector<16xi32>, vector<16xi32>], vector<16xf32>,
      %add3A_321 = arith.constant 48 : i32
      %add3A_322 = vector.broadcast %add3A_321 : i32 to vector<16xi32>
      %add3A_323 = arith.addi %iota3A, %add3A_322 : vector<16xi32>
      %gather3A_324 = tpu.vector_load_idx %arg13[%add3A_323, %add3A_302] : memref<64x128xf32, #tpu.memory_space<vmem>>[vector<16xi32>, vector<16xi32>], vector<16xf32>,
      tpu.vector_store_idx %arg8[%add3A_323, %add3A_308], %gather3A_324 : memref<64x512xf32, #tpu.memory_space<vmem>>[vector<16xi32>, vector<16xi32>], vector<16xf32>,
      %slice3A_325 = vector.extract_strided_slice %get3A_114 {offsets = [12], sizes = [1], strides = [1]} : vector<16xi32> to vector<1xi32>
      %squeeze3A_326 = vector.extract %slice3A_325[0] : i32 from vector<1xi32>
      %mul3A_327 = arith.constant 128 : i32
      %mul3A_328 = arith.muli %squeeze3A_326, %mul3A_327 : i32
      %dma_start3A_329 = arith.constant 0 : i32
      %dma_start3A_330 = tpu.memref_slice %arg2[%dma_start3A_329, %mul3A_328] : memref<64x1000000xf32, #tpu.memory_space<hbm>> -> memref<64x128xf32, #tpu.memory_space<hbm>>
      %dma_start3A_331 = arith.constant 0 : i32
      %dma_start3A_332 = tpu.memref_slice %arg2[%dma_start3A_331, %mul3A_328] : memref<64x1000000xf32, #tpu.memory_space<hbm>> -> memref<64x128xf32, #tpu.memory_space<hbm>>
      tpu.enqueue_dma source(%dma_start3A_332 : memref<64x128xf32, #tpu.memory_space<hbm>>) target(%arg13 : memref<64x128xf32, #tpu.memory_space<vmem>>) target_semaphore(%arg21 : memref<!tpu.dma_semaphore, #tpu.memory_space<semaphore_mem>>)
      %dma_wait3A_333 = arith.constant 0 : i32
      %dma_wait3A_334 = arith.constant 0 : i32
      %dma_wait3A_335 = tpu.memref_slice %arg2[%dma_wait3A_333, %dma_wait3A_334] : memref<64x1000000xf32, #tpu.memory_space<hbm>> -> memref<64x128xf32, #tpu.memory_space<hbm>>
      %dma_wait3A_336 = arith.constant 0 : i32
      %dma_wait3A_337 = arith.constant 0 : i32
      %dma_wait3A_338 = tpu.memref_slice %arg2[%dma_wait3A_336, %dma_wait3A_337] : memref<64x1000000xf32, #tpu.memory_space<hbm>> -> memref<64x128xf32, #tpu.memory_space<hbm>>
      tpu.wait_dma2 semaphore(%arg22 : memref<!tpu.dma_semaphore, #tpu.memory_space<semaphore_mem>>) src(%dma_wait3A_338 : memref<64x128xf32, #tpu.memory_space<hbm>>) dst(%arg14 : memref<64x128xf32, #tpu.memory_space<vmem>>)
      %slice3A_339 = vector.extract_strided_slice %get3A_118 {offsets = [5], sizes = [1], strides = [1]} : vector<16xi32> to vector<1xi32>
      %squeeze3A_340 = vector.extract %slice3A_339[0] : i32 from vector<1xi32>
      %add3A_341 = vector.broadcast %squeeze3A_340 : i32 to vector<16xi32>
      %add3A_342 = arith.addi %broadcast_in_dim3A_62, %add3A_341 : vector<16xi32>
      %mul3A_343 = arith.constant 16 : i32
      %mul3A_344 = arith.muli %scan3A_110, %mul3A_343 : i32
      %add3A_345 = arith.constant 5 : i32
      %add3A_346 = arith.addi %mul3A_344, %add3A_345 : i32
      %add3A_347 = vector.broadcast %add3A_346 : i32 to vector<16xi32>
      %add3A_348 = arith.addi %broadcast_in_dim3A_62, %add3A_347 : vector<16xi32>
      %add3A_349 = arith.constant 0 : i32
      %add3A_350 = vector.broadcast %add3A_349 : i32 to vector<16xi32>
      %add3A_351 = arith.addi %iota3A, %add3A_350 : vector<16xi32>
      %gather3A_352 = tpu.vector_load_idx %arg14[%add3A_351, %add3A_342] : memref<64x128xf32, #tpu.memory_space<vmem>>[vector<16xi32>, vector<16xi32>], vector<16xf32>,
      tpu.vector_store_idx %arg8[%add3A_351, %add3A_348], %gather3A_352 : memref<64x512xf32, #tpu.memory_space<vmem>>[vector<16xi32>, vector<16xi32>], vector<16xf32>,
      %add3A_353 = arith.constant 16 : i32
      %add3A_354 = vector.broadcast %add3A_353 : i32 to vector<16xi32>
      %add3A_355 = arith.addi %iota3A, %add3A_354 : vector<16xi32>
      %gather3A_356 = tpu.vector_load_idx %arg14[%add3A_355, %add3A_342] : memref<64x128xf32, #tpu.memory_space<vmem>>[vector<16xi32>, vector<16xi32>], vector<16xf32>,
      tpu.vector_store_idx %arg8[%add3A_355, %add3A_348], %gather3A_356 : memref<64x512xf32, #tpu.memory_space<vmem>>[vector<16xi32>, vector<16xi32>], vector<16xf32>,
      %add3A_357 = arith.constant 32 : i32
      %add3A_358 = vector.broadcast %add3A_357 : i32 to vector<16xi32>
      %add3A_359 = arith.addi %iota3A, %add3A_358 : vector<16xi32>
      %gather3A_360 = tpu.vector_load_idx %arg14[%add3A_359, %add3A_342] : memref<64x128xf32, #tpu.memory_space<vmem>>[vector<16xi32>, vector<16xi32>], vector<16xf32>,
      tpu.vector_store_idx %arg8[%add3A_359, %add3A_348], %gather3A_360 : memref<64x512xf32, #tpu.memory_space<vmem>>[vector<16xi32>, vector<16xi32>], vector<16xf32>,
      %add3A_361 = arith.constant 48 : i32
      %add3A_362 = vector.broadcast %add3A_361 : i32 to vector<16xi32>
      %add3A_363 = arith.addi %iota3A, %add3A_362 : vector<16xi32>
      %gather3A_364 = tpu.vector_load_idx %arg14[%add3A_363, %add3A_342] : memref<64x128xf32, #tpu.memory_space<vmem>>[vector<16xi32>, vector<16xi32>], vector<16xf32>,
      tpu.vector_store_idx %arg8[%add3A_363, %add3A_348], %gather3A_364 : memref<64x512xf32, #tpu.memory_space<vmem>>[vector<16xi32>, vector<16xi32>], vector<16xf32>,
      %slice3A_365 = vector.extract_strided_slice %get3A_114 {offsets = [13], sizes = [1], strides = [1]} : vector<16xi32> to vector<1xi32>
      %squeeze3A_366 = vector.extract %slice3A_365[0] : i32 from vector<1xi32>
      %mul3A_367 = arith.constant 128 : i32
      %mul3A_368 = arith.muli %squeeze3A_366, %mul3A_367 : i32
      %dma_start3A_369 = arith.constant 0 : i32
      %dma_start3A_370 = tpu.memref_slice %arg2[%dma_start3A_369, %mul3A_368] : memref<64x1000000xf32, #tpu.memory_space<hbm>> -> memref<64x128xf32, #tpu.memory_space<hbm>>
      %dma_start3A_371 = arith.constant 0 : i32
      %dma_start3A_372 = tpu.memref_slice %arg2[%dma_start3A_371, %mul3A_368] : memref<64x1000000xf32, #tpu.memory_space<hbm>> -> memref<64x128xf32, #tpu.memory_space<hbm>>
      tpu.enqueue_dma source(%dma_start3A_372 : memref<64x128xf32, #tpu.memory_space<hbm>>) target(%arg14 : memref<64x128xf32, #tpu.memory_space<vmem>>) target_semaphore(%arg22 : memref<!tpu.dma_semaphore, #tpu.memory_space<semaphore_mem>>)
      %dma_wait3A_373 = arith.constant 0 : i32
      %dma_wait3A_374 = arith.constant 0 : i32
      %dma_wait3A_375 = tpu.memref_slice %arg2[%dma_wait3A_373, %dma_wait3A_374] : memref<64x1000000xf32, #tpu.memory_space<hbm>> -> memref<64x128xf32, #tpu.memory_space<hbm>>
      %dma_wait3A_376 = arith.constant 0 : i32
      %dma_wait3A_377 = arith.constant 0 : i32
      %dma_wait3A_378 = tpu.memref_slice %arg2[%dma_wait3A_376, %dma_wait3A_377] : memref<64x1000000xf32, #tpu.memory_space<hbm>> -> memref<64x128xf32, #tpu.memory_space<hbm>>
      tpu.wait_dma2 semaphore(%arg23 : memref<!tpu.dma_semaphore, #tpu.memory_space<semaphore_mem>>) src(%dma_wait3A_378 : memref<64x128xf32, #tpu.memory_space<hbm>>) dst(%arg15 : memref<64x128xf32, #tpu.memory_space<vmem>>)
      %slice3A_379 = vector.extract_strided_slice %get3A_118 {offsets = [6], sizes = [1], strides = [1]} : vector<16xi32> to vector<1xi32>
      %squeeze3A_380 = vector.extract %slice3A_379[0] : i32 from vector<1xi32>
      %add3A_381 = vector.broadcast %squeeze3A_380 : i32 to vector<16xi32>
      %add3A_382 = arith.addi %broadcast_in_dim3A_62, %add3A_381 : vector<16xi32>
      %mul3A_383 = arith.constant 16 : i32
      %mul3A_384 = arith.muli %scan3A_110, %mul3A_383 : i32
      %add3A_385 = arith.constant 6 : i32
      %add3A_386 = arith.addi %mul3A_384, %add3A_385 : i32
      %add3A_387 = vector.broadcast %add3A_386 : i32 to vector<16xi32>
      %add3A_388 = arith.addi %broadcast_in_dim3A_62, %add3A_387 : vector<16xi32>
      %add3A_389 = arith.constant 0 : i32
      %add3A_390 = vector.broadcast %add3A_389 : i32 to vector<16xi32>
      %add3A_391 = arith.addi %iota3A, %add3A_390 : vector<16xi32>
      %gather3A_392 = tpu.vector_load_idx %arg15[%add3A_391, %add3A_382] : memref<64x128xf32, #tpu.memory_space<vmem>>[vector<16xi32>, vector<16xi32>], vector<16xf32>,
      tpu.vector_store_idx %arg8[%add3A_391, %add3A_388], %gather3A_392 : memref<64x512xf32, #tpu.memory_space<vmem>>[vector<16xi32>, vector<16xi32>], vector<16xf32>,
      %add3A_393 = arith.constant 16 : i32
      %add3A_394 = vector.broadcast %add3A_393 : i32 to vector<16xi32>
      %add3A_395 = arith.addi %iota3A, %add3A_394 : vector<16xi32>
      %gather3A_396 = tpu.vector_load_idx %arg15[%add3A_395, %add3A_382] : memref<64x128xf32, #tpu.memory_space<vmem>>[vector<16xi32>, vector<16xi32>], vector<16xf32>,
      tpu.vector_store_idx %arg8[%add3A_395, %add3A_388], %gather3A_396 : memref<64x512xf32, #tpu.memory_space<vmem>>[vector<16xi32>, vector<16xi32>], vector<16xf32>,
      %add3A_397 = arith.constant 32 : i32
      %add3A_398 = vector.broadcast %add3A_397 : i32 to vector<16xi32>
      %add3A_399 = arith.addi %iota3A, %add3A_398 : vector<16xi32>
      %gather3A_400 = tpu.vector_load_idx %arg15[%add3A_399, %add3A_382] : memref<64x128xf32, #tpu.memory_space<vmem>>[vector<16xi32>, vector<16xi32>], vector<16xf32>,
      tpu.vector_store_idx %arg8[%add3A_399, %add3A_388], %gather3A_400 : memref<64x512xf32, #tpu.memory_space<vmem>>[vector<16xi32>, vector<16xi32>], vector<16xf32>,
      %add3A_401 = arith.constant 48 : i32
      %add3A_402 = vector.broadcast %add3A_401 : i32 to vector<16xi32>
      %add3A_403 = arith.addi %iota3A, %add3A_402 : vector<16xi32>
      %gather3A_404 = tpu.vector_load_idx %arg15[%add3A_403, %add3A_382] : memref<64x128xf32, #tpu.memory_space<vmem>>[vector<16xi32>, vector<16xi32>], vector<16xf32>,
      tpu.vector_store_idx %arg8[%add3A_403, %add3A_388], %gather3A_404 : memref<64x512xf32, #tpu.memory_space<vmem>>[vector<16xi32>, vector<16xi32>], vector<16xf32>,
      %slice3A_405 = vector.extract_strided_slice %get3A_114 {offsets = [14], sizes = [1], strides = [1]} : vector<16xi32> to vector<1xi32>
      %squeeze3A_406 = vector.extract %slice3A_405[0] : i32 from vector<1xi32>
      %mul3A_407 = arith.constant 128 : i32
      %mul3A_408 = arith.muli %squeeze3A_406, %mul3A_407 : i32
      %dma_start3A_409 = arith.constant 0 : i32
      %dma_start3A_410 = tpu.memref_slice %arg2[%dma_start3A_409, %mul3A_408] : memref<64x1000000xf32, #tpu.memory_space<hbm>> -> memref<64x128xf32, #tpu.memory_space<hbm>>
      %dma_start3A_411 = arith.constant 0 : i32
      %dma_start3A_412 = tpu.memref_slice %arg2[%dma_start3A_411, %mul3A_408] : memref<64x1000000xf32, #tpu.memory_space<hbm>> -> memref<64x128xf32, #tpu.memory_space<hbm>>
      tpu.enqueue_dma source(%dma_start3A_412 : memref<64x128xf32, #tpu.memory_space<hbm>>) target(%arg15 : memref<64x128xf32, #tpu.memory_space<vmem>>) target_semaphore(%arg23 : memref<!tpu.dma_semaphore, #tpu.memory_space<semaphore_mem>>)
      %dma_wait3A_413 = arith.constant 0 : i32
      %dma_wait3A_414 = arith.constant 0 : i32
      %dma_wait3A_415 = tpu.memref_slice %arg2[%dma_wait3A_413, %dma_wait3A_414] : memref<64x1000000xf32, #tpu.memory_space<hbm>> -> memref<64x128xf32, #tpu.memory_space<hbm>>
      %dma_wait3A_416 = arith.constant 0 : i32
      %dma_wait3A_417 = arith.constant 0 : i32
      %dma_wait3A_418 = tpu.memref_slice %arg2[%dma_wait3A_416, %dma_wait3A_417] : memref<64x1000000xf32, #tpu.memory_space<hbm>> -> memref<64x128xf32, #tpu.memory_space<hbm>>
      tpu.wait_dma2 semaphore(%arg24 : memref<!tpu.dma_semaphore, #tpu.memory_space<semaphore_mem>>) src(%dma_wait3A_418 : memref<64x128xf32, #tpu.memory_space<hbm>>) dst(%arg16 : memref<64x128xf32, #tpu.memory_space<vmem>>)
      %slice3A_419 = vector.extract_strided_slice %get3A_118 {offsets = [7], sizes = [1], strides = [1]} : vector<16xi32> to vector<1xi32>
      %squeeze3A_420 = vector.extract %slice3A_419[0] : i32 from vector<1xi32>
      %add3A_421 = vector.broadcast %squeeze3A_420 : i32 to vector<16xi32>
      %add3A_422 = arith.addi %broadcast_in_dim3A_62, %add3A_421 : vector<16xi32>
      %mul3A_423 = arith.constant 16 : i32
      %mul3A_424 = arith.muli %scan3A_110, %mul3A_423 : i32
      %add3A_425 = arith.constant 7 : i32
      %add3A_426 = arith.addi %mul3A_424, %add3A_425 : i32
      %add3A_427 = vector.broadcast %add3A_426 : i32 to vector<16xi32>
      %add3A_428 = arith.addi %broadcast_in_dim3A_62, %add3A_427 : vector<16xi32>
      %add3A_429 = arith.constant 0 : i32
      %add3A_430 = vector.broadcast %add3A_429 : i32 to vector<16xi32>
      %add3A_431 = arith.addi %iota3A, %add3A_430 : vector<16xi32>
      %gather3A_432 = tpu.vector_load_idx %arg16[%add3A_431, %add3A_422] : memref<64x128xf32, #tpu.memory_space<vmem>>[vector<16xi32>, vector<16xi32>], vector<16xf32>,
      tpu.vector_store_idx %arg8[%add3A_431, %add3A_428], %gather3A_432 : memref<64x512xf32, #tpu.memory_space<vmem>>[vector<16xi32>, vector<16xi32>], vector<16xf32>,
      %add3A_433 = arith.constant 16 : i32
      %add3A_434 = vector.broadcast %add3A_433 : i32 to vector<16xi32>
      %add3A_435 = arith.addi %iota3A, %add3A_434 : vector<16xi32>
      %gather3A_436 = tpu.vector_load_idx %arg16[%add3A_435, %add3A_422] : memref<64x128xf32, #tpu.memory_space<vmem>>[vector<16xi32>, vector<16xi32>], vector<16xf32>,
      tpu.vector_store_idx %arg8[%add3A_435, %add3A_428], %gather3A_436 : memref<64x512xf32, #tpu.memory_space<vmem>>[vector<16xi32>, vector<16xi32>], vector<16xf32>,
      %add3A_437 = arith.constant 32 : i32
      %add3A_438 = vector.broadcast %add3A_437 : i32 to vector<16xi32>
      %add3A_439 = arith.addi %iota3A, %add3A_438 : vector<16xi32>
      %gather3A_440 = tpu.vector_load_idx %arg16[%add3A_439, %add3A_422] : memref<64x128xf32, #tpu.memory_space<vmem>>[vector<16xi32>, vector<16xi32>], vector<16xf32>,
      tpu.vector_store_idx %arg8[%add3A_439, %add3A_428], %gather3A_440 : memref<64x512xf32, #tpu.memory_space<vmem>>[vector<16xi32>, vector<16xi32>], vector<16xf32>,
      %add3A_441 = arith.constant 48 : i32
      %add3A_442 = vector.broadcast %add3A_441 : i32 to vector<16xi32>
      %add3A_443 = arith.addi %iota3A, %add3A_442 : vector<16xi32>
      %gather3A_444 = tpu.vector_load_idx %arg16[%add3A_443, %add3A_422] : memref<64x128xf32, #tpu.memory_space<vmem>>[vector<16xi32>, vector<16xi32>], vector<16xf32>,
      tpu.vector_store_idx %arg8[%add3A_443, %add3A_428], %gather3A_444 : memref<64x512xf32, #tpu.memory_space<vmem>>[vector<16xi32>, vector<16xi32>], vector<16xf32>,
      %slice3A_445 = vector.extract_strided_slice %get3A_114 {offsets = [15], sizes = [1], strides = [1]} : vector<16xi32> to vector<1xi32>
      %squeeze3A_446 = vector.extract %slice3A_445[0] : i32 from vector<1xi32>
      %mul3A_447 = arith.constant 128 : i32
      %mul3A_448 = arith.muli %squeeze3A_446, %mul3A_447 : i32
      %dma_start3A_449 = arith.constant 0 : i32
      %dma_start3A_450 = tpu.memref_slice %arg2[%dma_start3A_449, %mul3A_448] : memref<64x1000000xf32, #tpu.memory_space<hbm>> -> memref<64x128xf32, #tpu.memory_space<hbm>>
      %dma_start3A_451 = arith.constant 0 : i32
      %dma_start3A_452 = tpu.memref_slice %arg2[%dma_start3A_451, %mul3A_448] : memref<64x1000000xf32, #tpu.memory_space<hbm>> -> memref<64x128xf32, #tpu.memory_space<hbm>>
      tpu.enqueue_dma source(%dma_start3A_452 : memref<64x128xf32, #tpu.memory_space<hbm>>) target(%arg16 : memref<64x128xf32, #tpu.memory_space<vmem>>) target_semaphore(%arg24 : memref<!tpu.dma_semaphore, #tpu.memory_space<semaphore_mem>>)
      %dma_wait3A_453 = arith.constant 0 : i32
      %dma_wait3A_454 = arith.constant 0 : i32
      %dma_wait3A_455 = tpu.memref_slice %arg2[%dma_wait3A_453, %dma_wait3A_454] : memref<64x1000000xf32, #tpu.memory_space<hbm>> -> memref<64x128xf32, #tpu.memory_space<hbm>>
      %dma_wait3A_456 = arith.constant 0 : i32
      %dma_wait3A_457 = arith.constant 0 : i32
      %dma_wait3A_458 = tpu.memref_slice %arg2[%dma_wait3A_456, %dma_wait3A_457] : memref<64x1000000xf32, #tpu.memory_space<hbm>> -> memref<64x128xf32, #tpu.memory_space<hbm>>
      tpu.wait_dma2 semaphore(%arg17 : memref<!tpu.dma_semaphore, #tpu.memory_space<semaphore_mem>>) src(%dma_wait3A_458 : memref<64x128xf32, #tpu.memory_space<hbm>>) dst(%arg9 : memref<64x128xf32, #tpu.memory_space<vmem>>)
      %slice3A_459 = vector.extract_strided_slice %get3A_118 {offsets = [8], sizes = [1], strides = [1]} : vector<16xi32> to vector<1xi32>
      %squeeze3A_460 = vector.extract %slice3A_459[0] : i32 from vector<1xi32>
      %add3A_461 = vector.broadcast %squeeze3A_460 : i32 to vector<16xi32>
      %add3A_462 = arith.addi %broadcast_in_dim3A_62, %add3A_461 : vector<16xi32>
      %mul3A_463 = arith.constant 16 : i32
      %mul3A_464 = arith.muli %scan3A_110, %mul3A_463 : i32
      %add3A_465 = arith.constant 8 : i32
      %add3A_466 = arith.addi %mul3A_464, %add3A_465 : i32
      %add3A_467 = vector.broadcast %add3A_466 : i32 to vector<16xi32>
      %add3A_468 = arith.addi %broadcast_in_dim3A_62, %add3A_467 : vector<16xi32>
      %add3A_469 = arith.constant 0 : i32
      %add3A_470 = vector.broadcast %add3A_469 : i32 to vector<16xi32>
      %add3A_471 = arith.addi %iota3A, %add3A_470 : vector<16xi32>
      %gather3A_472 = tpu.vector_load_idx %arg9[%add3A_471, %add3A_462] : memref<64x128xf32, #tpu.memory_space<vmem>>[vector<16xi32>, vector<16xi32>], vector<16xf32>,
      tpu.vector_store_idx %arg8[%add3A_471, %add3A_468], %gather3A_472 : memref<64x512xf32, #tpu.memory_space<vmem>>[vector<16xi32>, vector<16xi32>], vector<16xf32>,
      %add3A_473 = arith.constant 16 : i32
      %add3A_474 = vector.broadcast %add3A_473 : i32 to vector<16xi32>
      %add3A_475 = arith.addi %iota3A, %add3A_474 : vector<16xi32>
      %gather3A_476 = tpu.vector_load_idx %arg9[%add3A_475, %add3A_462] : memref<64x128xf32, #tpu.memory_space<vmem>>[vector<16xi32>, vector<16xi32>], vector<16xf32>,
      tpu.vector_store_idx %arg8[%add3A_475, %add3A_468], %gather3A_476 : memref<64x512xf32, #tpu.memory_space<vmem>>[vector<16xi32>, vector<16xi32>], vector<16xf32>,
      %add3A_477 = arith.constant 32 : i32
      %add3A_478 = vector.broadcast %add3A_477 : i32 to vector<16xi32>
      %add3A_479 = arith.addi %iota3A, %add3A_478 : vector<16xi32>
      %gather3A_480 = tpu.vector_load_idx %arg9[%add3A_479, %add3A_462] : memref<64x128xf32, #tpu.memory_space<vmem>>[vector<16xi32>, vector<16xi32>], vector<16xf32>,
      tpu.vector_store_idx %arg8[%add3A_479, %add3A_468], %gather3A_480 : memref<64x512xf32, #tpu.memory_space<vmem>>[vector<16xi32>, vector<16xi32>], vector<16xf32>,
      %add3A_481 = arith.constant 48 : i32
      %add3A_482 = vector.broadcast %add3A_481 : i32 to vector<16xi32>
      %add3A_483 = arith.addi %iota3A, %add3A_482 : vector<16xi32>
      %gather3A_484 = tpu.vector_load_idx %arg9[%add3A_483, %add3A_462] : memref<64x128xf32, #tpu.memory_space<vmem>>[vector<16xi32>, vector<16xi32>], vector<16xf32>,
      tpu.vector_store_idx %arg8[%add3A_483, %add3A_468], %gather3A_484 : memref<64x512xf32, #tpu.memory_space<vmem>>[vector<16xi32>, vector<16xi32>], vector<16xf32>,
      %slice3A_485 = vector.extract_strided_slice %get3A_125 {offsets = [0], sizes = [1], strides = [1]} : vector<16xi32> to vector<1xi32>
      %squeeze3A_486 = vector.extract %slice3A_485[0] : i32 from vector<1xi32>
      %mul3A_487 = arith.constant 128 : i32
      %mul3A_488 = arith.muli %squeeze3A_486, %mul3A_487 : i32
      %dma_start3A_489 = arith.constant 0 : i32
      %dma_start3A_490 = tpu.memref_slice %arg2[%dma_start3A_489, %mul3A_488] : memref<64x1000000xf32, #tpu.memory_space<hbm>> -> memref<64x128xf32, #tpu.memory_space<hbm>>
      %dma_start3A_491 = arith.constant 0 : i32
      %dma_start3A_492 = tpu.memref_slice %arg2[%dma_start3A_491, %mul3A_488] : memref<64x1000000xf32, #tpu.memory_space<hbm>> -> memref<64x128xf32, #tpu.memory_space<hbm>>
      tpu.enqueue_dma source(%dma_start3A_492 : memref<64x128xf32, #tpu.memory_space<hbm>>) target(%arg9 : memref<64x128xf32, #tpu.memory_space<vmem>>) target_semaphore(%arg17 : memref<!tpu.dma_semaphore, #tpu.memory_space<semaphore_mem>>)
      %dma_wait3A_493 = arith.constant 0 : i32
      %dma_wait3A_494 = arith.constant 0 : i32
      %dma_wait3A_495 = tpu.memref_slice %arg2[%dma_wait3A_493, %dma_wait3A_494] : memref<64x1000000xf32, #tpu.memory_space<hbm>> -> memref<64x128xf32, #tpu.memory_space<hbm>>
      %dma_wait3A_496 = arith.constant 0 : i32
      %dma_wait3A_497 = arith.constant 0 : i32
      %dma_wait3A_498 = tpu.memref_slice %arg2[%dma_wait3A_496, %dma_wait3A_497] : memref<64x1000000xf32, #tpu.memory_space<hbm>> -> memref<64x128xf32, #tpu.memory_space<hbm>>
      tpu.wait_dma2 semaphore(%arg18 : memref<!tpu.dma_semaphore, #tpu.memory_space<semaphore_mem>>) src(%dma_wait3A_498 : memref<64x128xf32, #tpu.memory_space<hbm>>) dst(%arg10 : memref<64x128xf32, #tpu.memory_space<vmem>>)
      %slice3A_499 = vector.extract_strided_slice %get3A_118 {offsets = [9], sizes = [1], strides = [1]} : vector<16xi32> to vector<1xi32>
      %squeeze3A_500 = vector.extract %slice3A_499[0] : i32 from vector<1xi32>
      %add3A_501 = vector.broadcast %squeeze3A_500 : i32 to vector<16xi32>
      %add3A_502 = arith.addi %broadcast_in_dim3A_62, %add3A_501 : vector<16xi32>
      %mul3A_503 = arith.constant 16 : i32
      %mul3A_504 = arith.muli %scan3A_110, %mul3A_503 : i32
      %add3A_505 = arith.constant 9 : i32
      %add3A_506 = arith.addi %mul3A_504, %add3A_505 : i32
      %add3A_507 = vector.broadcast %add3A_506 : i32 to vector<16xi32>
      %add3A_508 = arith.addi %broadcast_in_dim3A_62, %add3A_507 : vector<16xi32>
      %add3A_509 = arith.constant 0 : i32
      %add3A_510 = vector.broadcast %add3A_509 : i32 to vector<16xi32>
      %add3A_511 = arith.addi %iota3A, %add3A_510 : vector<16xi32>
      %gather3A_512 = tpu.vector_load_idx %arg10[%add3A_511, %add3A_502] : memref<64x128xf32, #tpu.memory_space<vmem>>[vector<16xi32>, vector<16xi32>], vector<16xf32>,
      tpu.vector_store_idx %arg8[%add3A_511, %add3A_508], %gather3A_512 : memref<64x512xf32, #tpu.memory_space<vmem>>[vector<16xi32>, vector<16xi32>], vector<16xf32>,
      %add3A_513 = arith.constant 16 : i32
      %add3A_514 = vector.broadcast %add3A_513 : i32 to vector<16xi32>
      %add3A_515 = arith.addi %iota3A, %add3A_514 : vector<16xi32>
      %gather3A_516 = tpu.vector_load_idx %arg10[%add3A_515, %add3A_502] : memref<64x128xf32, #tpu.memory_space<vmem>>[vector<16xi32>, vector<16xi32>], vector<16xf32>,
      tpu.vector_store_idx %arg8[%add3A_515, %add3A_508], %gather3A_516 : memref<64x512xf32, #tpu.memory_space<vmem>>[vector<16xi32>, vector<16xi32>], vector<16xf32>,
      %add3A_517 = arith.constant 32 : i32
      %add3A_518 = vector.broadcast %add3A_517 : i32 to vector<16xi32>
      %add3A_519 = arith.addi %iota3A, %add3A_518 : vector<16xi32>
      %gather3A_520 = tpu.vector_load_idx %arg10[%add3A_519, %add3A_502] : memref<64x128xf32, #tpu.memory_space<vmem>>[vector<16xi32>, vector<16xi32>], vector<16xf32>,
      tpu.vector_store_idx %arg8[%add3A_519, %add3A_508], %gather3A_520 : memref<64x512xf32, #tpu.memory_space<vmem>>[vector<16xi32>, vector<16xi32>], vector<16xf32>,
      %add3A_521 = arith.constant 48 : i32
      %add3A_522 = vector.broadcast %add3A_521 : i32 to vector<16xi32>
      %add3A_523 = arith.addi %iota3A, %add3A_522 : vector<16xi32>
      %gather3A_524 = tpu.vector_load_idx %arg10[%add3A_523, %add3A_502] : memref<64x128xf32, #tpu.memory_space<vmem>>[vector<16xi32>, vector<16xi32>], vector<16xf32>,
      tpu.vector_store_idx %arg8[%add3A_523, %add3A_508], %gather3A_524 : memref<64x512xf32, #tpu.memory_space<vmem>>[vector<16xi32>, vector<16xi32>], vector<16xf32>,
      %slice3A_525 = vector.extract_strided_slice %get3A_125 {offsets = [1], sizes = [1], strides = [1]} : vector<16xi32> to vector<1xi32>
      %squeeze3A_526 = vector.extract %slice3A_525[0] : i32 from vector<1xi32>
      %mul3A_527 = arith.constant 128 : i32
      %mul3A_528 = arith.muli %squeeze3A_526, %mul3A_527 : i32
      %dma_start3A_529 = arith.constant 0 : i32
      %dma_start3A_530 = tpu.memref_slice %arg2[%dma_start3A_529, %mul3A_528] : memref<64x1000000xf32, #tpu.memory_space<hbm>> -> memref<64x128xf32, #tpu.memory_space<hbm>>
      %dma_start3A_531 = arith.constant 0 : i32
      %dma_start3A_532 = tpu.memref_slice %arg2[%dma_start3A_531, %mul3A_528] : memref<64x1000000xf32, #tpu.memory_space<hbm>> -> memref<64x128xf32, #tpu.memory_space<hbm>>
      tpu.enqueue_dma source(%dma_start3A_532 : memref<64x128xf32, #tpu.memory_space<hbm>>) target(%arg10 : memref<64x128xf32, #tpu.memory_space<vmem>>) target_semaphore(%arg18 : memref<!tpu.dma_semaphore, #tpu.memory_space<semaphore_mem>>)
      %dma_wait3A_533 = arith.constant 0 : i32
      %dma_wait3A_534 = arith.constant 0 : i32
      %dma_wait3A_535 = tpu.memref_slice %arg2[%dma_wait3A_533, %dma_wait3A_534] : memref<64x1000000xf32, #tpu.memory_space<hbm>> -> memref<64x128xf32, #tpu.memory_space<hbm>>
      %dma_wait3A_536 = arith.constant 0 : i32
      %dma_wait3A_537 = arith.constant 0 : i32
      %dma_wait3A_538 = tpu.memref_slice %arg2[%dma_wait3A_536, %dma_wait3A_537] : memref<64x1000000xf32, #tpu.memory_space<hbm>> -> memref<64x128xf32, #tpu.memory_space<hbm>>
      tpu.wait_dma2 semaphore(%arg19 : memref<!tpu.dma_semaphore, #tpu.memory_space<semaphore_mem>>) src(%dma_wait3A_538 : memref<64x128xf32, #tpu.memory_space<hbm>>) dst(%arg11 : memref<64x128xf32, #tpu.memory_space<vmem>>)
      %slice3A_539 = vector.extract_strided_slice %get3A_118 {offsets = [10], sizes = [1], strides = [1]} : vector<16xi32> to vector<1xi32>
      %squeeze3A_540 = vector.extract %slice3A_539[0] : i32 from vector<1xi32>
      %add3A_541 = vector.broadcast %squeeze3A_540 : i32 to vector<16xi32>
      %add3A_542 = arith.addi %broadcast_in_dim3A_62, %add3A_541 : vector<16xi32>
      %mul3A_543 = arith.constant 16 : i32
      %mul3A_544 = arith.muli %scan3A_110, %mul3A_543 : i32
      %add3A_545 = arith.constant 10 : i32
      %add3A_546 = arith.addi %mul3A_544, %add3A_545 : i32
      %add3A_547 = vector.broadcast %add3A_546 : i32 to vector<16xi32>
      %add3A_548 = arith.addi %broadcast_in_dim3A_62, %add3A_547 : vector<16xi32>
      %add3A_549 = arith.constant 0 : i32
      %add3A_550 = vector.broadcast %add3A_549 : i32 to vector<16xi32>
      %add3A_551 = arith.addi %iota3A, %add3A_550 : vector<16xi32>
      %gather3A_552 = tpu.vector_load_idx %arg11[%add3A_551, %add3A_542] : memref<64x128xf32, #tpu.memory_space<vmem>>[vector<16xi32>, vector<16xi32>], vector<16xf32>,
      tpu.vector_store_idx %arg8[%add3A_551, %add3A_548], %gather3A_552 : memref<64x512xf32, #tpu.memory_space<vmem>>[vector<16xi32>, vector<16xi32>], vector<16xf32>,
      %add3A_553 = arith.constant 16 : i32
      %add3A_554 = vector.broadcast %add3A_553 : i32 to vector<16xi32>
      %add3A_555 = arith.addi %iota3A, %add3A_554 : vector<16xi32>
      %gather3A_556 = tpu.vector_load_idx %arg11[%add3A_555, %add3A_542] : memref<64x128xf32, #tpu.memory_space<vmem>>[vector<16xi32>, vector<16xi32>], vector<16xf32>,
      tpu.vector_store_idx %arg8[%add3A_555, %add3A_548], %gather3A_556 : memref<64x512xf32, #tpu.memory_space<vmem>>[vector<16xi32>, vector<16xi32>], vector<16xf32>,
      %add3A_557 = arith.constant 32 : i32
      %add3A_558 = vector.broadcast %add3A_557 : i32 to vector<16xi32>
      %add3A_559 = arith.addi %iota3A, %add3A_558 : vector<16xi32>
      %gather3A_560 = tpu.vector_load_idx %arg11[%add3A_559, %add3A_542] : memref<64x128xf32, #tpu.memory_space<vmem>>[vector<16xi32>, vector<16xi32>], vector<16xf32>,
      tpu.vector_store_idx %arg8[%add3A_559, %add3A_548], %gather3A_560 : memref<64x512xf32, #tpu.memory_space<vmem>>[vector<16xi32>, vector<16xi32>], vector<16xf32>,
      %add3A_561 = arith.constant 48 : i32
      %add3A_562 = vector.broadcast %add3A_561 : i32 to vector<16xi32>
      %add3A_563 = arith.addi %iota3A, %add3A_562 : vector<16xi32>
      %gather3A_564 = tpu.vector_load_idx %arg11[%add3A_563, %add3A_542] : memref<64x128xf32, #tpu.memory_space<vmem>>[vector<16xi32>, vector<16xi32>], vector<16xf32>,
      tpu.vector_store_idx %arg8[%add3A_563, %add3A_548], %gather3A_564 : memref<64x512xf32, #tpu.memory_space<vmem>>[vector<16xi32>, vector<16xi32>], vector<16xf32>,
      %slice3A_565 = vector.extract_strided_slice %get3A_125 {offsets = [2], sizes = [1], strides = [1]} : vector<16xi32> to vector<1xi32>
      %squeeze3A_566 = vector.extract %slice3A_565[0] : i32 from vector<1xi32>
      %mul3A_567 = arith.constant 128 : i32
      %mul3A_568 = arith.muli %squeeze3A_566, %mul3A_567 : i32
      %dma_start3A_569 = arith.constant 0 : i32
      %dma_start3A_570 = tpu.memref_slice %arg2[%dma_start3A_569, %mul3A_568] : memref<64x1000000xf32, #tpu.memory_space<hbm>> -> memref<64x128xf32, #tpu.memory_space<hbm>>
      %dma_start3A_571 = arith.constant 0 : i32
      %dma_start3A_572 = tpu.memref_slice %arg2[%dma_start3A_571, %mul3A_568] : memref<64x1000000xf32, #tpu.memory_space<hbm>> -> memref<64x128xf32, #tpu.memory_space<hbm>>
      tpu.enqueue_dma source(%dma_start3A_572 : memref<64x128xf32, #tpu.memory_space<hbm>>) target(%arg11 : memref<64x128xf32, #tpu.memory_space<vmem>>) target_semaphore(%arg19 : memref<!tpu.dma_semaphore, #tpu.memory_space<semaphore_mem>>)
      %dma_wait3A_573 = arith.constant 0 : i32
      %dma_wait3A_574 = arith.constant 0 : i32
      %dma_wait3A_575 = tpu.memref_slice %arg2[%dma_wait3A_573, %dma_wait3A_574] : memref<64x1000000xf32, #tpu.memory_space<hbm>> -> memref<64x128xf32, #tpu.memory_space<hbm>>
      %dma_wait3A_576 = arith.constant 0 : i32
      %dma_wait3A_577 = arith.constant 0 : i32
      %dma_wait3A_578 = tpu.memref_slice %arg2[%dma_wait3A_576, %dma_wait3A_577] : memref<64x1000000xf32, #tpu.memory_space<hbm>> -> memref<64x128xf32, #tpu.memory_space<hbm>>
      tpu.wait_dma2 semaphore(%arg20 : memref<!tpu.dma_semaphore, #tpu.memory_space<semaphore_mem>>) src(%dma_wait3A_578 : memref<64x128xf32, #tpu.memory_space<hbm>>) dst(%arg12 : memref<64x128xf32, #tpu.memory_space<vmem>>)
      %slice3A_579 = vector.extract_strided_slice %get3A_118 {offsets = [11], sizes = [1], strides = [1]} : vector<16xi32> to vector<1xi32>
      %squeeze3A_580 = vector.extract %slice3A_579[0] : i32 from vector<1xi32>
      %add3A_581 = vector.broadcast %squeeze3A_580 : i32 to vector<16xi32>
      %add3A_582 = arith.addi %broadcast_in_dim3A_62, %add3A_581 : vector<16xi32>
      %mul3A_583 = arith.constant 16 : i32
      %mul3A_584 = arith.muli %scan3A_110, %mul3A_583 : i32
      %add3A_585 = arith.constant 11 : i32
      %add3A_586 = arith.addi %mul3A_584, %add3A_585 : i32
      %add3A_587 = vector.broadcast %add3A_586 : i32 to vector<16xi32>
      %add3A_588 = arith.addi %broadcast_in_dim3A_62, %add3A_587 : vector<16xi32>
      %add3A_589 = arith.constant 0 : i32
      %add3A_590 = vector.broadcast %add3A_589 : i32 to vector<16xi32>
      %add3A_591 = arith.addi %iota3A, %add3A_590 : vector<16xi32>
      %gather3A_592 = tpu.vector_load_idx %arg12[%add3A_591, %add3A_582] : memref<64x128xf32, #tpu.memory_space<vmem>>[vector<16xi32>, vector<16xi32>], vector<16xf32>,
      tpu.vector_store_idx %arg8[%add3A_591, %add3A_588], %gather3A_592 : memref<64x512xf32, #tpu.memory_space<vmem>>[vector<16xi32>, vector<16xi32>], vector<16xf32>,
      %add3A_593 = arith.constant 16 : i32
      %add3A_594 = vector.broadcast %add3A_593 : i32 to vector<16xi32>
      %add3A_595 = arith.addi %iota3A, %add3A_594 : vector<16xi32>
      %gather3A_596 = tpu.vector_load_idx %arg12[%add3A_595, %add3A_582] : memref<64x128xf32, #tpu.memory_space<vmem>>[vector<16xi32>, vector<16xi32>], vector<16xf32>,
      tpu.vector_store_idx %arg8[%add3A_595, %add3A_588], %gather3A_596 : memref<64x512xf32, #tpu.memory_space<vmem>>[vector<16xi32>, vector<16xi32>], vector<16xf32>,
      %add3A_597 = arith.constant 32 : i32
      %add3A_598 = vector.broadcast %add3A_597 : i32 to vector<16xi32>
      %add3A_599 = arith.addi %iota3A, %add3A_598 : vector<16xi32>
      %gather3A_600 = tpu.vector_load_idx %arg12[%add3A_599, %add3A_582] : memref<64x128xf32, #tpu.memory_space<vmem>>[vector<16xi32>, vector<16xi32>], vector<16xf32>,
      tpu.vector_store_idx %arg8[%add3A_599, %add3A_588], %gather3A_600 : memref<64x512xf32, #tpu.memory_space<vmem>>[vector<16xi32>, vector<16xi32>], vector<16xf32>,
      %add3A_601 = arith.constant 48 : i32
      %add3A_602 = vector.broadcast %add3A_601 : i32 to vector<16xi32>
      %add3A_603 = arith.addi %iota3A, %add3A_602 : vector<16xi32>
      %gather3A_604 = tpu.vector_load_idx %arg12[%add3A_603, %add3A_582] : memref<64x128xf32, #tpu.memory_space<vmem>>[vector<16xi32>, vector<16xi32>], vector<16xf32>,
      tpu.vector_store_idx %arg8[%add3A_603, %add3A_588], %gather3A_604 : memref<64x512xf32, #tpu.memory_space<vmem>>[vector<16xi32>, vector<16xi32>], vector<16xf32>,
      %slice3A_605 = vector.extract_strided_slice %get3A_125 {offsets = [3], sizes = [1], strides = [1]} : vector<16xi32> to vector<1xi32>
      %squeeze3A_606 = vector.extract %slice3A_605[0] : i32 from vector<1xi32>
      %mul3A_607 = arith.constant 128 : i32
      %mul3A_608 = arith.muli %squeeze3A_606, %mul3A_607 : i32
      %dma_start3A_609 = arith.constant 0 : i32
      %dma_start3A_610 = tpu.memref_slice %arg2[%dma_start3A_609, %mul3A_608] : memref<64x1000000xf32, #tpu.memory_space<hbm>> -> memref<64x128xf32, #tpu.memory_space<hbm>>
      %dma_start3A_611 = arith.constant 0 : i32
      %dma_start3A_612 = tpu.memref_slice %arg2[%dma_start3A_611, %mul3A_608] : memref<64x1000000xf32, #tpu.memory_space<hbm>> -> memref<64x128xf32, #tpu.memory_space<hbm>>
      tpu.enqueue_dma source(%dma_start3A_612 : memref<64x128xf32, #tpu.memory_space<hbm>>) target(%arg12 : memref<64x128xf32, #tpu.memory_space<vmem>>) target_semaphore(%arg20 : memref<!tpu.dma_semaphore, #tpu.memory_space<semaphore_mem>>)
      %dma_wait3A_613 = arith.constant 0 : i32
      %dma_wait3A_614 = arith.constant 0 : i32
      %dma_wait3A_615 = tpu.memref_slice %arg2[%dma_wait3A_613, %dma_wait3A_614] : memref<64x1000000xf32, #tpu.memory_space<hbm>> -> memref<64x128xf32, #tpu.memory_space<hbm>>
      %dma_wait3A_616 = arith.constant 0 : i32
      %dma_wait3A_617 = arith.constant 0 : i32
      %dma_wait3A_618 = tpu.memref_slice %arg2[%dma_wait3A_616, %dma_wait3A_617] : memref<64x1000000xf32, #tpu.memory_space<hbm>> -> memref<64x128xf32, #tpu.memory_space<hbm>>
      tpu.wait_dma2 semaphore(%arg21 : memref<!tpu.dma_semaphore, #tpu.memory_space<semaphore_mem>>) src(%dma_wait3A_618 : memref<64x128xf32, #tpu.memory_space<hbm>>) dst(%arg13 : memref<64x128xf32, #tpu.memory_space<vmem>>)
      %slice3A_619 = vector.extract_strided_slice %get3A_118 {offsets = [12], sizes = [1], strides = [1]} : vector<16xi32> to vector<1xi32>
      %squeeze3A_620 = vector.extract %slice3A_619[0] : i32 from vector<1xi32>
      %add3A_621 = vector.broadcast %squeeze3A_620 : i32 to vector<16xi32>
      %add3A_622 = arith.addi %broadcast_in_dim3A_62, %add3A_621 : vector<16xi32>
      %mul3A_623 = arith.constant 16 : i32
      %mul3A_624 = arith.muli %scan3A_110, %mul3A_623 : i32
      %add3A_625 = arith.constant 12 : i32
      %add3A_626 = arith.addi %mul3A_624, %add3A_625 : i32
      %add3A_627 = vector.broadcast %add3A_626 : i32 to vector<16xi32>
      %add3A_628 = arith.addi %broadcast_in_dim3A_62, %add3A_627 : vector<16xi32>
      %add3A_629 = arith.constant 0 : i32
      %add3A_630 = vector.broadcast %add3A_629 : i32 to vector<16xi32>
      %add3A_631 = arith.addi %iota3A, %add3A_630 : vector<16xi32>
      %gather3A_632 = tpu.vector_load_idx %arg13[%add3A_631, %add3A_622] : memref<64x128xf32, #tpu.memory_space<vmem>>[vector<16xi32>, vector<16xi32>], vector<16xf32>,
      tpu.vector_store_idx %arg8[%add3A_631, %add3A_628], %gather3A_632 : memref<64x512xf32, #tpu.memory_space<vmem>>[vector<16xi32>, vector<16xi32>], vector<16xf32>,
      %add3A_633 = arith.constant 16 : i32
      %add3A_634 = vector.broadcast %add3A_633 : i32 to vector<16xi32>
      %add3A_635 = arith.addi %iota3A, %add3A_634 : vector<16xi32>
      %gather3A_636 = tpu.vector_load_idx %arg13[%add3A_635, %add3A_622] : memref<64x128xf32, #tpu.memory_space<vmem>>[vector<16xi32>, vector<16xi32>], vector<16xf32>,
      tpu.vector_store_idx %arg8[%add3A_635, %add3A_628], %gather3A_636 : memref<64x512xf32, #tpu.memory_space<vmem>>[vector<16xi32>, vector<16xi32>], vector<16xf32>,
      %add3A_637 = arith.constant 32 : i32
      %add3A_638 = vector.broadcast %add3A_637 : i32 to vector<16xi32>
      %add3A_639 = arith.addi %iota3A, %add3A_638 : vector<16xi32>
      %gather3A_640 = tpu.vector_load_idx %arg13[%add3A_639, %add3A_622] : memref<64x128xf32, #tpu.memory_space<vmem>>[vector<16xi32>, vector<16xi32>], vector<16xf32>,
      tpu.vector_store_idx %arg8[%add3A_639, %add3A_628], %gather3A_640 : memref<64x512xf32, #tpu.memory_space<vmem>>[vector<16xi32>, vector<16xi32>], vector<16xf32>,
      %add3A_641 = arith.constant 48 : i32
      %add3A_642 = vector.broadcast %add3A_641 : i32 to vector<16xi32>
      %add3A_643 = arith.addi %iota3A, %add3A_642 : vector<16xi32>
      %gather3A_644 = tpu.vector_load_idx %arg13[%add3A_643, %add3A_622] : memref<64x128xf32, #tpu.memory_space<vmem>>[vector<16xi32>, vector<16xi32>], vector<16xf32>,
      tpu.vector_store_idx %arg8[%add3A_643, %add3A_628], %gather3A_644 : memref<64x512xf32, #tpu.memory_space<vmem>>[vector<16xi32>, vector<16xi32>], vector<16xf32>,
      %slice3A_645 = vector.extract_strided_slice %get3A_125 {offsets = [4], sizes = [1], strides = [1]} : vector<16xi32> to vector<1xi32>
      %squeeze3A_646 = vector.extract %slice3A_645[0] : i32 from vector<1xi32>
      %mul3A_647 = arith.constant 128 : i32
      %mul3A_648 = arith.muli %squeeze3A_646, %mul3A_647 : i32
      %dma_start3A_649 = arith.constant 0 : i32
      %dma_start3A_650 = tpu.memref_slice %arg2[%dma_start3A_649, %mul3A_648] : memref<64x1000000xf32, #tpu.memory_space<hbm>> -> memref<64x128xf32, #tpu.memory_space<hbm>>
      %dma_start3A_651 = arith.constant 0 : i32
      %dma_start3A_652 = tpu.memref_slice %arg2[%dma_start3A_651, %mul3A_648] : memref<64x1000000xf32, #tpu.memory_space<hbm>> -> memref<64x128xf32, #tpu.memory_space<hbm>>
      tpu.enqueue_dma source(%dma_start3A_652 : memref<64x128xf32, #tpu.memory_space<hbm>>) target(%arg13 : memref<64x128xf32, #tpu.memory_space<vmem>>) target_semaphore(%arg21 : memref<!tpu.dma_semaphore, #tpu.memory_space<semaphore_mem>>)
      %dma_wait3A_653 = arith.constant 0 : i32
      %dma_wait3A_654 = arith.constant 0 : i32
      %dma_wait3A_655 = tpu.memref_slice %arg2[%dma_wait3A_653, %dma_wait3A_654] : memref<64x1000000xf32, #tpu.memory_space<hbm>> -> memref<64x128xf32, #tpu.memory_space<hbm>>
      %dma_wait3A_656 = arith.constant 0 : i32
      %dma_wait3A_657 = arith.constant 0 : i32
      %dma_wait3A_658 = tpu.memref_slice %arg2[%dma_wait3A_656, %dma_wait3A_657] : memref<64x1000000xf32, #tpu.memory_space<hbm>> -> memref<64x128xf32, #tpu.memory_space<hbm>>
      tpu.wait_dma2 semaphore(%arg22 : memref<!tpu.dma_semaphore, #tpu.memory_space<semaphore_mem>>) src(%dma_wait3A_658 : memref<64x128xf32, #tpu.memory_space<hbm>>) dst(%arg14 : memref<64x128xf32, #tpu.memory_space<vmem>>)
      %slice3A_659 = vector.extract_strided_slice %get3A_118 {offsets = [13], sizes = [1], strides = [1]} : vector<16xi32> to vector<1xi32>
      %squeeze3A_660 = vector.extract %slice3A_659[0] : i32 from vector<1xi32>
      %add3A_661 = vector.broadcast %squeeze3A_660 : i32 to vector<16xi32>
      %add3A_662 = arith.addi %broadcast_in_dim3A_62, %add3A_661 : vector<16xi32>
      %mul3A_663 = arith.constant 16 : i32
      %mul3A_664 = arith.muli %scan3A_110, %mul3A_663 : i32
      %add3A_665 = arith.constant 13 : i32
      %add3A_666 = arith.addi %mul3A_664, %add3A_665 : i32
      %add3A_667 = vector.broadcast %add3A_666 : i32 to vector<16xi32>
      %add3A_668 = arith.addi %broadcast_in_dim3A_62, %add3A_667 : vector<16xi32>
      %add3A_669 = arith.constant 0 : i32
      %add3A_670 = vector.broadcast %add3A_669 : i32 to vector<16xi32>
      %add3A_671 = arith.addi %iota3A, %add3A_670 : vector<16xi32>
      %gather3A_672 = tpu.vector_load_idx %arg14[%add3A_671, %add3A_662] : memref<64x128xf32, #tpu.memory_space<vmem>>[vector<16xi32>, vector<16xi32>], vector<16xf32>,
      tpu.vector_store_idx %arg8[%add3A_671, %add3A_668], %gather3A_672 : memref<64x512xf32, #tpu.memory_space<vmem>>[vector<16xi32>, vector<16xi32>], vector<16xf32>,
      %add3A_673 = arith.constant 16 : i32
      %add3A_674 = vector.broadcast %add3A_673 : i32 to vector<16xi32>
      %add3A_675 = arith.addi %iota3A, %add3A_674 : vector<16xi32>
      %gather3A_676 = tpu.vector_load_idx %arg14[%add3A_675, %add3A_662] : memref<64x128xf32, #tpu.memory_space<vmem>>[vector<16xi32>, vector<16xi32>], vector<16xf32>,
      tpu.vector_store_idx %arg8[%add3A_675, %add3A_668], %gather3A_676 : memref<64x512xf32, #tpu.memory_space<vmem>>[vector<16xi32>, vector<16xi32>], vector<16xf32>,
      %add3A_677 = arith.constant 32 : i32
      %add3A_678 = vector.broadcast %add3A_677 : i32 to vector<16xi32>
      %add3A_679 = arith.addi %iota3A, %add3A_678 : vector<16xi32>
      %gather3A_680 = tpu.vector_load_idx %arg14[%add3A_679, %add3A_662] : memref<64x128xf32, #tpu.memory_space<vmem>>[vector<16xi32>, vector<16xi32>], vector<16xf32>,
      tpu.vector_store_idx %arg8[%add3A_679, %add3A_668], %gather3A_680 : memref<64x512xf32, #tpu.memory_space<vmem>>[vector<16xi32>, vector<16xi32>], vector<16xf32>,
      %add3A_681 = arith.constant 48 : i32
      %add3A_682 = vector.broadcast %add3A_681 : i32 to vector<16xi32>
      %add3A_683 = arith.addi %iota3A, %add3A_682 : vector<16xi32>
      %gather3A_684 = tpu.vector_load_idx %arg14[%add3A_683, %add3A_662] : memref<64x128xf32, #tpu.memory_space<vmem>>[vector<16xi32>, vector<16xi32>], vector<16xf32>,
      tpu.vector_store_idx %arg8[%add3A_683, %add3A_668], %gather3A_684 : memref<64x512xf32, #tpu.memory_space<vmem>>[vector<16xi32>, vector<16xi32>], vector<16xf32>,
      %slice3A_685 = vector.extract_strided_slice %get3A_125 {offsets = [5], sizes = [1], strides = [1]} : vector<16xi32> to vector<1xi32>
      %squeeze3A_686 = vector.extract %slice3A_685[0] : i32 from vector<1xi32>
      %mul3A_687 = arith.constant 128 : i32
      %mul3A_688 = arith.muli %squeeze3A_686, %mul3A_687 : i32
      %dma_start3A_689 = arith.constant 0 : i32
      %dma_start3A_690 = tpu.memref_slice %arg2[%dma_start3A_689, %mul3A_688] : memref<64x1000000xf32, #tpu.memory_space<hbm>> -> memref<64x128xf32, #tpu.memory_space<hbm>>
      %dma_start3A_691 = arith.constant 0 : i32
      %dma_start3A_692 = tpu.memref_slice %arg2[%dma_start3A_691, %mul3A_688] : memref<64x1000000xf32, #tpu.memory_space<hbm>> -> memref<64x128xf32, #tpu.memory_space<hbm>>
      tpu.enqueue_dma source(%dma_start3A_692 : memref<64x128xf32, #tpu.memory_space<hbm>>) target(%arg14 : memref<64x128xf32, #tpu.memory_space<vmem>>) target_semaphore(%arg22 : memref<!tpu.dma_semaphore, #tpu.memory_space<semaphore_mem>>)
      %dma_wait3A_693 = arith.constant 0 : i32
      %dma_wait3A_694 = arith.constant 0 : i32
      %dma_wait3A_695 = tpu.memref_slice %arg2[%dma_wait3A_693, %dma_wait3A_694] : memref<64x1000000xf32, #tpu.memory_space<hbm>> -> memref<64x128xf32, #tpu.memory_space<hbm>>
      %dma_wait3A_696 = arith.constant 0 : i32
      %dma_wait3A_697 = arith.constant 0 : i32
      %dma_wait3A_698 = tpu.memref_slice %arg2[%dma_wait3A_696, %dma_wait3A_697] : memref<64x1000000xf32, #tpu.memory_space<hbm>> -> memref<64x128xf32, #tpu.memory_space<hbm>>
      tpu.wait_dma2 semaphore(%arg23 : memref<!tpu.dma_semaphore, #tpu.memory_space<semaphore_mem>>) src(%dma_wait3A_698 : memref<64x128xf32, #tpu.memory_space<hbm>>) dst(%arg15 : memref<64x128xf32, #tpu.memory_space<vmem>>)
      %slice3A_699 = vector.extract_strided_slice %get3A_118 {offsets = [14], sizes = [1], strides = [1]} : vector<16xi32> to vector<1xi32>
      %squeeze3A_700 = vector.extract %slice3A_699[0] : i32 from vector<1xi32>
      %add3A_701 = vector.broadcast %squeeze3A_700 : i32 to vector<16xi32>
      %add3A_702 = arith.addi %broadcast_in_dim3A_62, %add3A_701 : vector<16xi32>
      %mul3A_703 = arith.constant 16 : i32
      %mul3A_704 = arith.muli %scan3A_110, %mul3A_703 : i32
      %add3A_705 = arith.constant 14 : i32
      %add3A_706 = arith.addi %mul3A_704, %add3A_705 : i32
      %add3A_707 = vector.broadcast %add3A_706 : i32 to vector<16xi32>
      %add3A_708 = arith.addi %broadcast_in_dim3A_62, %add3A_707 : vector<16xi32>
      %add3A_709 = arith.constant 0 : i32
      %add3A_710 = vector.broadcast %add3A_709 : i32 to vector<16xi32>
      %add3A_711 = arith.addi %iota3A, %add3A_710 : vector<16xi32>
      %gather3A_712 = tpu.vector_load_idx %arg15[%add3A_711, %add3A_702] : memref<64x128xf32, #tpu.memory_space<vmem>>[vector<16xi32>, vector<16xi32>], vector<16xf32>,
      tpu.vector_store_idx %arg8[%add3A_711, %add3A_708], %gather3A_712 : memref<64x512xf32, #tpu.memory_space<vmem>>[vector<16xi32>, vector<16xi32>], vector<16xf32>,
      %add3A_713 = arith.constant 16 : i32
      %add3A_714 = vector.broadcast %add3A_713 : i32 to vector<16xi32>
      %add3A_715 = arith.addi %iota3A, %add3A_714 : vector<16xi32>
      %gather3A_716 = tpu.vector_load_idx %arg15[%add3A_715, %add3A_702] : memref<64x128xf32, #tpu.memory_space<vmem>>[vector<16xi32>, vector<16xi32>], vector<16xf32>,
      tpu.vector_store_idx %arg8[%add3A_715, %add3A_708], %gather3A_716 : memref<64x512xf32, #tpu.memory_space<vmem>>[vector<16xi32>, vector<16xi32>], vector<16xf32>,
      %add3A_717 = arith.constant 32 : i32
      %add3A_718 = vector.broadcast %add3A_717 : i32 to vector<16xi32>
      %add3A_719 = arith.addi %iota3A, %add3A_718 : vector<16xi32>
      %gather3A_720 = tpu.vector_load_idx %arg15[%add3A_719, %add3A_702] : memref<64x128xf32, #tpu.memory_space<vmem>>[vector<16xi32>, vector<16xi32>], vector<16xf32>,
      tpu.vector_store_idx %arg8[%add3A_719, %add3A_708], %gather3A_720 : memref<64x512xf32, #tpu.memory_space<vmem>>[vector<16xi32>, vector<16xi32>], vector<16xf32>,
      %add3A_721 = arith.constant 48 : i32
      %add3A_722 = vector.broadcast %add3A_721 : i32 to vector<16xi32>
      %add3A_723 = arith.addi %iota3A, %add3A_722 : vector<16xi32>
      %gather3A_724 = tpu.vector_load_idx %arg15[%add3A_723, %add3A_702] : memref<64x128xf32, #tpu.memory_space<vmem>>[vector<16xi32>, vector<16xi32>], vector<16xf32>,
      tpu.vector_store_idx %arg8[%add3A_723, %add3A_708], %gather3A_724 : memref<64x512xf32, #tpu.memory_space<vmem>>[vector<16xi32>, vector<16xi32>], vector<16xf32>,
      %slice3A_725 = vector.extract_strided_slice %get3A_125 {offsets = [6], sizes = [1], strides = [1]} : vector<16xi32> to vector<1xi32>
      %squeeze3A_726 = vector.extract %slice3A_725[0] : i32 from vector<1xi32>
      %mul3A_727 = arith.constant 128 : i32
      %mul3A_728 = arith.muli %squeeze3A_726, %mul3A_727 : i32
      %dma_start3A_729 = arith.constant 0 : i32
      %dma_start3A_730 = tpu.memref_slice %arg2[%dma_start3A_729, %mul3A_728] : memref<64x1000000xf32, #tpu.memory_space<hbm>> -> memref<64x128xf32, #tpu.memory_space<hbm>>
      %dma_start3A_731 = arith.constant 0 : i32
      %dma_start3A_732 = tpu.memref_slice %arg2[%dma_start3A_731, %mul3A_728] : memref<64x1000000xf32, #tpu.memory_space<hbm>> -> memref<64x128xf32, #tpu.memory_space<hbm>>
      tpu.enqueue_dma source(%dma_start3A_732 : memref<64x128xf32, #tpu.memory_space<hbm>>) target(%arg15 : memref<64x128xf32, #tpu.memory_space<vmem>>) target_semaphore(%arg23 : memref<!tpu.dma_semaphore, #tpu.memory_space<semaphore_mem>>)
      %dma_wait3A_733 = arith.constant 0 : i32
      %dma_wait3A_734 = arith.constant 0 : i32
      %dma_wait3A_735 = tpu.memref_slice %arg2[%dma_wait3A_733, %dma_wait3A_734] : memref<64x1000000xf32, #tpu.memory_space<hbm>> -> memref<64x128xf32, #tpu.memory_space<hbm>>
      %dma_wait3A_736 = arith.constant 0 : i32
      %dma_wait3A_737 = arith.constant 0 : i32
      %dma_wait3A_738 = tpu.memref_slice %arg2[%dma_wait3A_736, %dma_wait3A_737] : memref<64x1000000xf32, #tpu.memory_space<hbm>> -> memref<64x128xf32, #tpu.memory_space<hbm>>
      tpu.wait_dma2 semaphore(%arg24 : memref<!tpu.dma_semaphore, #tpu.memory_space<semaphore_mem>>) src(%dma_wait3A_738 : memref<64x128xf32, #tpu.memory_space<hbm>>) dst(%arg16 : memref<64x128xf32, #tpu.memory_space<vmem>>)
      %slice3A_739 = vector.extract_strided_slice %get3A_118 {offsets = [15], sizes = [1], strides = [1]} : vector<16xi32> to vector<1xi32>
      %squeeze3A_740 = vector.extract %slice3A_739[0] : i32 from vector<1xi32>
      %add3A_741 = vector.broadcast %squeeze3A_740 : i32 to vector<16xi32>
      %add3A_742 = arith.addi %broadcast_in_dim3A_62, %add3A_741 : vector<16xi32>
      %mul3A_743 = arith.constant 16 : i32
      %mul3A_744 = arith.muli %scan3A_110, %mul3A_743 : i32
      %add3A_745 = arith.constant 15 : i32
      %add3A_746 = arith.addi %mul3A_744, %add3A_745 : i32
      %add3A_747 = vector.broadcast %add3A_746 : i32 to vector<16xi32>
      %add3A_748 = arith.addi %broadcast_in_dim3A_62, %add3A_747 : vector<16xi32>
      %add3A_749 = arith.constant 0 : i32
      %add3A_750 = vector.broadcast %add3A_749 : i32 to vector<16xi32>
      %add3A_751 = arith.addi %iota3A, %add3A_750 : vector<16xi32>
      %gather3A_752 = tpu.vector_load_idx %arg16[%add3A_751, %add3A_742] : memref<64x128xf32, #tpu.memory_space<vmem>>[vector<16xi32>, vector<16xi32>], vector<16xf32>,
      tpu.vector_store_idx %arg8[%add3A_751, %add3A_748], %gather3A_752 : memref<64x512xf32, #tpu.memory_space<vmem>>[vector<16xi32>, vector<16xi32>], vector<16xf32>,
      %add3A_753 = arith.constant 16 : i32
      %add3A_754 = vector.broadcast %add3A_753 : i32 to vector<16xi32>
      %add3A_755 = arith.addi %iota3A, %add3A_754 : vector<16xi32>
      %gather3A_756 = tpu.vector_load_idx %arg16[%add3A_755, %add3A_742] : memref<64x128xf32, #tpu.memory_space<vmem>>[vector<16xi32>, vector<16xi32>], vector<16xf32>,
      tpu.vector_store_idx %arg8[%add3A_755, %add3A_748], %gather3A_756 : memref<64x512xf32, #tpu.memory_space<vmem>>[vector<16xi32>, vector<16xi32>], vector<16xf32>,
      %add3A_757 = arith.constant 32 : i32
      %add3A_758 = vector.broadcast %add3A_757 : i32 to vector<16xi32>
      %add3A_759 = arith.addi %iota3A, %add3A_758 : vector<16xi32>
      %gather3A_760 = tpu.vector_load_idx %arg16[%add3A_759, %add3A_742] : memref<64x128xf32, #tpu.memory_space<vmem>>[vector<16xi32>, vector<16xi32>], vector<16xf32>,
      tpu.vector_store_idx %arg8[%add3A_759, %add3A_748], %gather3A_760 : memref<64x512xf32, #tpu.memory_space<vmem>>[vector<16xi32>, vector<16xi32>], vector<16xf32>,
      %add3A_761 = arith.constant 48 : i32
      %add3A_762 = vector.broadcast %add3A_761 : i32 to vector<16xi32>
      %add3A_763 = arith.addi %iota3A, %add3A_762 : vector<16xi32>
      %gather3A_764 = tpu.vector_load_idx %arg16[%add3A_763, %add3A_742] : memref<64x128xf32, #tpu.memory_space<vmem>>[vector<16xi32>, vector<16xi32>], vector<16xf32>,
      tpu.vector_store_idx %arg8[%add3A_763, %add3A_748], %gather3A_764 : memref<64x512xf32, #tpu.memory_space<vmem>>[vector<16xi32>, vector<16xi32>], vector<16xf32>,
    }
    %scan3A_68 = arith.constant 32 : i32
    %dma_wait3A = arith.constant 0 : i32
    %dma_wait3A_69 = arith.constant 0 : i32
    %dma_wait3A_70 = tpu.memref_slice %arg2[%dma_wait3A, %dma_wait3A_69] : memref<64x1000000xf32, #tpu.memory_space<hbm>> -> memref<64x128xf32, #tpu.memory_space<hbm>>
    %dma_wait3A_71 = arith.constant 0 : i32
    %dma_wait3A_72 = arith.constant 0 : i32
    %dma_wait3A_73 = tpu.memref_slice %arg2[%dma_wait3A_71, %dma_wait3A_72] : memref<64x1000000xf32, #tpu.memory_space<hbm>> -> memref<64x128xf32, #tpu.memory_space<hbm>>
    tpu.wait_dma2 semaphore(%arg17 : memref<!tpu.dma_semaphore, #tpu.memory_space<semaphore_mem>>) src(%dma_wait3A_73 : memref<64x128xf32, #tpu.memory_space<hbm>>) dst(%arg9 : memref<64x128xf32, #tpu.memory_space<vmem>>)
    %dma_wait3A_74 = arith.constant 0 : i32
    %dma_wait3A_75 = arith.constant 0 : i32
    %dma_wait3A_76 = tpu.memref_slice %arg2[%dma_wait3A_74, %dma_wait3A_75] : memref<64x1000000xf32, #tpu.memory_space<hbm>> -> memref<64x128xf32, #tpu.memory_space<hbm>>
    %dma_wait3A_77 = arith.constant 0 : i32
    %dma_wait3A_78 = arith.constant 0 : i32
    %dma_wait3A_79 = tpu.memref_slice %arg2[%dma_wait3A_77, %dma_wait3A_78] : memref<64x1000000xf32, #tpu.memory_space<hbm>> -> memref<64x128xf32, #tpu.memory_space<hbm>>
    tpu.wait_dma2 semaphore(%arg18 : memref<!tpu.dma_semaphore, #tpu.memory_space<semaphore_mem>>) src(%dma_wait3A_79 : memref<64x128xf32, #tpu.memory_space<hbm>>) dst(%arg10 : memref<64x128xf32, #tpu.memory_space<vmem>>)
    %dma_wait3A_80 = arith.constant 0 : i32
    %dma_wait3A_81 = arith.constant 0 : i32
    %dma_wait3A_82 = tpu.memref_slice %arg2[%dma_wait3A_80, %dma_wait3A_81] : memref<64x1000000xf32, #tpu.memory_space<hbm>> -> memref<64x128xf32, #tpu.memory_space<hbm>>
    %dma_wait3A_83 = arith.constant 0 : i32
    %dma_wait3A_84 = arith.constant 0 : i32
    %dma_wait3A_85 = tpu.memref_slice %arg2[%dma_wait3A_83, %dma_wait3A_84] : memref<64x1000000xf32, #tpu.memory_space<hbm>> -> memref<64x128xf32, #tpu.memory_space<hbm>>
    tpu.wait_dma2 semaphore(%arg19 : memref<!tpu.dma_semaphore, #tpu.memory_space<semaphore_mem>>) src(%dma_wait3A_85 : memref<64x128xf32, #tpu.memory_space<hbm>>) dst(%arg11 : memref<64x128xf32, #tpu.memory_space<vmem>>)
    %dma_wait3A_86 = arith.constant 0 : i32
    %dma_wait3A_87 = arith.constant 0 : i32
    %dma_wait3A_88 = tpu.memref_slice %arg2[%dma_wait3A_86, %dma_wait3A_87] : memref<64x1000000xf32, #tpu.memory_space<hbm>> -> memref<64x128xf32, #tpu.memory_space<hbm>>
    %dma_wait3A_89 = arith.constant 0 : i32
    %dma_wait3A_90 = arith.constant 0 : i32
    %dma_wait3A_91 = tpu.memref_slice %arg2[%dma_wait3A_89, %dma_wait3A_90] : memref<64x1000000xf32, #tpu.memory_space<hbm>> -> memref<64x128xf32, #tpu.memory_space<hbm>>
    tpu.wait_dma2 semaphore(%arg20 : memref<!tpu.dma_semaphore, #tpu.memory_space<semaphore_mem>>) src(%dma_wait3A_91 : memref<64x128xf32, #tpu.memory_space<hbm>>) dst(%arg12 : memref<64x128xf32, #tpu.memory_space<vmem>>)
    %dma_wait3A_92 = arith.constant 0 : i32
    %dma_wait3A_93 = arith.constant 0 : i32
    %dma_wait3A_94 = tpu.memref_slice %arg2[%dma_wait3A_92, %dma_wait3A_93] : memref<64x1000000xf32, #tpu.memory_space<hbm>> -> memref<64x128xf32, #tpu.memory_space<hbm>>
    %dma_wait3A_95 = arith.constant 0 : i32
    %dma_wait3A_96 = arith.constant 0 : i32
    %dma_wait3A_97 = tpu.memref_slice %arg2[%dma_wait3A_95, %dma_wait3A_96] : memref<64x1000000xf32, #tpu.memory_space<hbm>> -> memref<64x128xf32, #tpu.memory_space<hbm>>
    tpu.wait_dma2 semaphore(%arg21 : memref<!tpu.dma_semaphore, #tpu.memory_space<semaphore_mem>>) src(%dma_wait3A_97 : memref<64x128xf32, #tpu.memory_space<hbm>>) dst(%arg13 : memref<64x128xf32, #tpu.memory_space<vmem>>)
    %dma_wait3A_98 = arith.constant 0 : i32
    %dma_wait3A_99 = arith.constant 0 : i32
    %dma_wait3A_100 = tpu.memref_slice %arg2[%dma_wait3A_98, %dma_wait3A_99] : memref<64x1000000xf32, #tpu.memory_space<hbm>> -> memref<64x128xf32, #tpu.memory_space<hbm>>
    %dma_wait3A_101 = arith.constant 0 : i32
    %dma_wait3A_102 = arith.constant 0 : i32
    %dma_wait3A_103 = tpu.memref_slice %arg2[%dma_wait3A_101, %dma_wait3A_102] : memref<64x1000000xf32, #tpu.memory_space<hbm>> -> memref<64x128xf32, #tpu.memory_space<hbm>>
    tpu.wait_dma2 semaphore(%arg22 : memref<!tpu.dma_semaphore, #tpu.memory_space<semaphore_mem>>) src(%dma_wait3A_103 : memref<64x128xf32, #tpu.memory_space<hbm>>) dst(%arg14 : memref<64x128xf32, #tpu.memory_space<vmem>>)
    %dma_wait3A_104 = arith.constant 0 : i32
    %dma_wait3A_105 = arith.constant 0 : i32
    %dma_wait3A_106 = tpu.memref_slice %arg2[%dma_wait3A_104, %dma_wait3A_105] : memref<64x1000000xf32, #tpu.memory_space<hbm>> -> memref<64x128xf32, #tpu.memory_space<hbm>>
    %dma_wait3A_107 = arith.constant 0 : i32
    %dma_wait3A_108 = arith.constant 0 : i32
    %dma_wait3A_109 = tpu.memref_slice %arg2[%dma_wait3A_107, %dma_wait3A_108] : memref<64x1000000xf32, #tpu.memory_space<hbm>> -> memref<64x128xf32, #tpu.memory_space<hbm>>
    tpu.wait_dma2 semaphore(%arg23 : memref<!tpu.dma_semaphore, #tpu.memory_space<semaphore_mem>>) src(%dma_wait3A_109 : memref<64x128xf32, #tpu.memory_space<hbm>>) dst(%arg15 : memref<64x128xf32, #tpu.memory_space<vmem>>)
    "tpu.region"() ({
      %run_scoped3A = tpu.sem_alloc : memref<!tpu.dma_semaphore, #tpu.memory_space<semaphore_mem>>
      %dma_start3A_110 = arith.constant 0 : i32
      %dma_start3A_111 = tpu.memref_slice %arg4[%dma_start3A_110, %mul3A_2] : memref<64x16384xf32, #tpu.memory_space<hbm>> -> memref<64x512xf32, #tpu.memory_space<hbm>>
      %dma_start3A_112 = arith.constant 0 : i32
      %dma_start3A_113 = tpu.memref_slice %arg4[%dma_start3A_112, %mul3A_2] : memref<64x16384xf32, #tpu.memory_space<hbm>> -> memref<64x512xf32, #tpu.memory_space<hbm>>
      tpu.enqueue_dma source(%arg8 : memref<64x512xf32, #tpu.memory_space<vmem>>) target(%dma_start3A_113 : memref<64x512xf32, #tpu.memory_space<hbm>>) target_semaphore(%run_scoped3A : memref<!tpu.dma_semaphore, #tpu.memory_space<semaphore_mem>>)
      %dma_wait3A_114 = arith.constant 0 : i32
      %dma_wait3A_115 = tpu.memref_slice %arg4[%dma_wait3A_114, %mul3A_2] : memref<64x16384xf32, #tpu.memory_space<hbm>> -> memref<64x512xf32, #tpu.memory_space<hbm>>
      %dma_wait3A_116 = arith.constant 0 : i32
      %dma_wait3A_117 = tpu.memref_slice %arg4[%dma_wait3A_116, %mul3A_2] : memref<64x16384xf32, #tpu.memory_space<hbm>> -> memref<64x512xf32, #tpu.memory_space<hbm>>
      tpu.wait_dma2 semaphore(%run_scoped3A : memref<!tpu.dma_semaphore, #tpu.memory_space<semaphore_mem>>) src(%arg8 : memref<64x512xf32, #tpu.memory_space<vmem>>) dst(%dma_wait3A_117 : memref<64x512xf32, #tpu.memory_space<hbm>>)
      tpu.yield
    }) : () -> ()
    return
  }
}

</mosaic_0001>

<sc_bundles>
// kernel: _gather.3.cloned.1.call-start
scs
__scs_entry_jumppad:
0x0: {  	(pc) =	sbr.rel $0x88, $3  }
0x1: {  	(tag) =	ssettag $0x0;
	lr =	simm.s32 $0x1  }
0x2: {  	[smem:$0x3F9F] =	sst lr;
	_ =	strace $0xD0000000  }
0x3: {  	_ = 	snop  }
0x4: {  	_ = 	snop  }
0x5: {  	_ = 	snop  }
0x6: {  	_ = 	snop  }
0x7: {  	_ = 	snop  }
__scs_overlays_trampoline_lowered:
0x8: {  	[smem:$0x3FAE] =	sst s0  }
0x9: {  	[smem:$0x3FAF] =	sst s1  }
0xa: {  	[smem:$0x3FB0] =	sst s2  }
0xb: {  	[smem:$0x3FB1] =	sst s3  }
0xc: {  	[smem:$0x3FB2] =	sst s4  }
0xd: {  	[smem:$0x3FB3] =	sst s5  }
0xe: {  	[smem:$0x3FB4] =	sst s6  }
0xf: {  	[smem:$0x3FB5] =	sst s7  }
0x10: {  	[smem:$0x3FB6] =	sst s8  }
0x11: {  	[smem:$0x3FB7] =	sst s9;
	s0 =	simm.s32 @!p0 $0x0  }
0x12: {  	s1 =	sld [smem:$0x3F9D];
	s0 =	simm.s32 @p0 $0x1  }
0x13: {  	[smem:$0x3FB8] =	sst s0;
	s0 =	simm.s32 @!p1 $0x0  }
0x14: {  	s2 =	sld [smem:$0x3F9C];
	s0 =	simm.s32 @p1 $0x1  }
0x15: {  	[smem:$0x3FB9] =	sst s0;
	s0 =	simm.s32 @!p2 $0x0  }
0x16: {  	s3 =	sld [smem:$0x3FDB];
	s0 =	simm.s32 @p2 $0x1  }
0x17: {  	s4 =	simm.s32 $0x1BF5;
	[smem:$0x3FBB] =	sst s0  }
0x18: {  	s0 =	sld [smem:$0x3F9E];
	_ =	swait.ge [sflag:s4], $0x0  }
0x19: {  	s7 =	sld [smem:$0x3F9F]  }
0x1a: {  	s8 =	sadd.s32 $0xFFFFE003, lr  }
0x1b: {  	s9 =	sadd.s32 $0xFFFFFEF7, lr;
	s5 =	simm.s32 $0xFFFFFFFF;
	p2 =	slt.u32 s8, $0xFFFFF086  }
0x1c: {  	p1 =	slt.u32 s9, $0xF7A;
	s5 =	simm.s32 @!p2 $0x0  }
0x1d: {  	s5 =	simm.s32 @p1 $0x1;
	p0 =	seq.s32 s7, s2  }
0x1e: {  	s7 =	smul.u32 @!p0 $0xF7A, s2;
	p2 =	seq.s32 @!p0 s5, $0x0  }
0x1f: {  	s9 =	smul.u32 $0xF7A, s1;
	s8 =	simm.s32 @!p0 $0x1BF5;
	p2 =	por !p2, p0  }
0x20: {  	[sflag:s8] =	ssyncset.s32 @!p0 $0xFFFFF086;
	s6 =	sadd.s32 @!p0 s3, s7;
	s7 =	simm.s32 @!p0 $0x108  }
0x21: {  	s3 =	sadd.s32 s3, s9;
	s6 =	sadd.s32 @!p0 $0x88, s6;
	s7 =	simm.s32 @p2 $0x1082  }
0x22: {  	[simem:s7], [sflag:s8] =	dma.local @!p0 [hbm:s6], $0xF7A  }
0x23: {  	s9 =	sor.u32 $0xD0000000, s2;
	s6 =	simm.s32 $0x108;
	_ =	swait.ge @!p0 [sflag:s8], $0x0  }
0x24: {  	s3 =	sadd.s32 $0x88, s3;
	s6 =	simm.s32 @!p1 $0x1082;
	[sflag:s4] =	ssyncset.s32 $0xFFFFF086  }
0x25: {  	[simem:s6], [sflag:s4] =	dma.local [hbm:s3], $0xF7A  }
0x26: {  	[smem:$0x3F9F] =	sst s1;
	(tag) =	ssettag s2;
	_ =	strace s9  }
0x27: {  	s1 =	sld [smem:$0x3FAF]  }
0x28: {  	s2 =	sld [smem:$0x3FB0]  }
0x29: {  	s4 =	sld [smem:$0x3FB2]  }
0x2a: {  	p0 =	seq.s32 s5, $0x0;
	s5 =	sld [smem:$0x3FB3]  }
0x2b: {  	s6 =	sld [smem:$0x3FB4]  }
0x2c: {  	s7 =	sld [smem:$0x3FB5]  }
0x2d: {  	s3 =	simm.s32 $0x108;
	s8 =	sld [smem:$0x3FB6]  }
0x2e: {  	s3 =	simm.s32 @!p0 $0x1082;
	s9 =	sld [smem:$0x3FB7]  }
0x2f: {  	lr =	sadd.s32 s0, s3;
	s0 =	sld [smem:$0x3FAE]  }
0x30: {  	s3 =	sld [smem:$0x3FB1]  }
0x31: {  	[smem:$0x3FBA] =	sst s10  }
0x32: {  	s10 =	sld [smem:$0x3FB8];
	_ =	sdelay $0x3  }
0x33: {  	p0 =	seq.s32 s10, $0x1;
	s10 =	sld [smem:$0x3FBA];
	_ =	sdelay $0x3  }
0x34: {  	[smem:$0x3FBA] =	sst s10  }
0x35: {  	s10 =	sld [smem:$0x3FB9];
	_ =	sdelay $0x3  }
0x36: {  	p1 =	seq.s32 s10, $0x1;
	s10 =	sld [smem:$0x3FBA];
	_ =	sdelay $0x3  }
0x37: {  	[smem:$0x3FBA] =	sst s10  }
0x38: {  	s10 =	sld [smem:$0x3FBB]  }
0x39: {  	_ = 	snop;
	(pc) =	sbr.ind lr, $3  }
0x3a: {  	_ = 	snop  }
0x3b: {  	_ = 	snop  }
0x3c: {  	p2 =	seq.s32 s10, $0x1;
	s10 =	sld [smem:$0x3FBA]  }
0x3d: {  	_ =	shalt  }
0x3e: {  	_ =	shalt  }
0x3f: {  	_ =	shalt  }
0x40: {  	_ =	shalt  }
0x41: {  	_ =	shalt  }
0x42: {  	_ =	shalt  }
0x43: {  	_ =	shalt  }
0x44: {  	_ =	shalt  }
0x45: {  	_ =	shalt  }
0x46: {  	_ =	shalt  }
0x47: {  	_ =	shalt  }
0x48: {  	_ =	shalt  }
0x49: {  	_ =	shalt  }
0x4a: {  	_ =	shalt  }
0x4b: {  	_ =	shalt  }
0x4c: {  	_ =	shalt  }
0x4d: {  	_ =	shalt  }
0x4e: {  	_ =	shalt  }
0x4f: {  	_ =	shalt  }
0x50: {  	_ =	shalt  }
0x51: {  	_ =	shalt  }
0x52: {  	_ =	shalt  }
0x53: {  	_ =	shalt  }
0x54: {  	_ =	shalt  }
0x55: {  	_ =	shalt  }
0x56: {  	_ =	shalt  }
0x57: {  	_ =	shalt  }
0x58: {  	_ =	shalt  }
0x59: {  	_ =	shalt  }
0x5a: {  	_ =	shalt  }
0x5b: {  	_ =	shalt  }
0x5c: {  	_ =	shalt  }
0x5d: {  	_ =	shalt  }
0x5e: {  	_ =	shalt  }
0x5f: {  	_ =	shalt  }
0x60: {  	_ =	shalt  }
0x61: {  	_ =	shalt  }
0x62: {  	_ =	shalt  }
0x63: {  	_ =	shalt  }
0x64: {  	_ =	shalt  }
0x65: {  	_ =	shalt  }
0x66: {  	_ =	shalt  }
0x67: {  	_ =	shalt  }
0x68: {  	_ =	shalt  }
0x69: {  	_ =	shalt  }
0x6a: {  	_ =	shalt  }
0x6b: {  	_ =	shalt  }
0x6c: {  	_ =	shalt  }
0x6d: {  	_ =	shalt  }
0x6e: {  	_ =	shalt  }
0x6f: {  	_ =	shalt  }
0x70: {  	_ =	shalt  }
0x71: {  	_ =	shalt  }
0x72: {  	_ =	shalt  }
0x73: {  	_ =	shalt  }
0x74: {  	_ =	shalt  }
0x75: {  	_ =	shalt  }
0x76: {  	_ =	shalt  }
0x77: {  	_ =	shalt  }
0x78: {  	_ =	shalt  }
0x79: {  	_ =	shalt  }
0x7a: {  	_ =	shalt  }
0x7b: {  	_ =	shalt  }
0x7c: {  	_ =	shalt  }
0x7d: {  	_ =	shalt  }
0x7e: {  	_ =	shalt  }
0x7f: {  	_ =	shalt  }
0x80: {  	_ =	shalt  }
0x81: {  	_ =	shalt  }
0x82: {  	_ =	shalt  }
0x83: {  	_ =	shalt  }
0x84: {  	_ =	shalt  }
0x85: {  	_ =	shalt  }
0x86: {  	_ =	shalt  }
0x87: {  	_ =	shalt  }
.Lfunc_end0:
.L_simem_size_0:
called_computation_lowered:
.L_overlay_start_0:
0x88: {  	s2 =	sld [smem:$0x3FD9]  }
0x89: {  	s3 =	sld [smem:$0x3FFE];
	_ =	sdelay $0x1  }
0x8a: {  	s1 =	srdreg.scid  }
0x8b: {  	s0 =	sand.u32 $0x1, s1  }
0x8c: {  	s18 =	sshll.u32 s0, $0xA;
	s2 =	sadd.s32 s3, s2  }
0x8d: {  	s2 =	sadd.s32 s2, s18  }
0x8e: {  	[smem:$0x3FC6] =	sst s2  }
0x8f: {  	_ = 	snop  }
0x90: {  	s2 =	sld [smem:$0x3FC9]  }
0x91: {  	s19 =	sld [smem:$0x3FC8]  }
0x92: {  	s4 =	sld [smem:$0x3FD0];
	(tm) =	ssettm $0x1  }
0x93: {  	s5 =	sld [smem:$0x3FFB];
	_ =	sdelay $0x3  }
0x94: {  	_ =	strace s5  }
0x95: {  	s5 =	sld [smem:$0x3FFC];
	_ =	sdelay $0x3  }
0x96: {  	_ =	strace s5  }
0x97: {  	s5 =	sld [smem:$0x3FFD];
	_ =	sdelay $0x3  }
0x98: {  	_ =	strace s5  }
0x99: {  	_ =	strace $0x8FFFFFFF  }
0x9a: {  	s20 =	sld [smem:$0x3FDB];
	_ =	sdelay $0x1  }
0x9b: {  	s6 =	simm.s32 $_scs_section_size  }
0x9c: {  	s7 =	simm.s32 $_size__tile_overlayer_lowered;
	s8 =	simm.s32 $_tile_overlayer_lowered  }
0x9d: {  	s23 =	simm.s32 $0x1BFF;
	s22 =	sshll.u32 s8, $0x1;
	s5 =	sadd.s32 s6, s20  }
0x9e: {  	s9 =	simm.s32 $0x0;
	s21 =	sshll.u32 s7, $0x1;
	s7 =	sadd.s32 s22, s5  }
0x9f: {  	[timem:s9], [sflag:s23] =	dma.local [hbm:s7], s21  }
0xa0: {  	_ =	swait.ge [sflag:s23], s21  }
0xa1: {  	s6 =	ssub.s32 $0x0, s21;
	[sflag:s23] =	ssyncset.done $0x0  }
0xa2: {  	[sflag:s23] =	ssyncadd.s32 s6;
	_ =	sdelay $0x1  }
0xa3: {  	s24 =	simm.s32 $0x1B8B  }
0xa4: {  	_ =	swait.ge [sflag:s24], $0x1  }
0xa5: {  	[sflag:s24] =	ssyncset.done $0x0  }
0xa6: {  	s25 =	simm.s32 $0x1B8E;
	[sflag:s24] =	ssyncadd.s32 $0xFFFFFFFF  }
0xa7: {  	s26 =	simm.s32 $execute0_lowered;
	[smem:$0x3FD2] =	sst s25  }
0xa8: {  	s6 =	sshll.u32 s26, $0x1;
	_ =	strace $0x80000046;
	[dreg:$0x1] =	wrdreg $0xFFFFFFFF  }
0xa9: {  	s28 =	simm.s32 $_size_execute0_lowered;
	s5 =	sadd.s32 s5, s6;
	[dreg:$0x0] =	wrdreg $0x0  }
0xaa: {  	s6 =	sshll.u32 s28, $0x1;
	[dreg:$0x2] =	wrdreg s5  }
0xab: {  	[dreg:$0x3] =	wrdreg s6  }
0xac: {  	[dreg:$0x4] =	wrdreg $0xC0  }
0xad: {  	_ =	task [dreg:s9], $0x5FFFF  }
0xae: {  	[dreg:$0x1] =	wrdreg $0xFFFFFFFF  }
0xaf: {  	[dreg:$0x0] =	wrdreg $0x60  }
0xb0: {  	[dreg:$0x2] =	wrdreg s2  }
0xb1: {  	[dreg:$0x3] =	wrdreg s19  }
0xb2: {  	[dreg:$0x4] =	wrdreg s4  }
0xb3: {  	[dreg:$0x5] =	wrdreg $0x9  }
0xb4: {  	_ =	task.clear_ibuf [dreg:s9], $0x6FFFF;
	_ =	strace $0x90000046  }
0xb5: {  	s29 =	simm.s32 $0x9;
	_ =	strace $0x80000048  }
0xb6: {  	_ =	swait.ge [sflag:s29], $0x1  }
0xb7: {  	[sflag:s29] =	ssyncadd.s32 $0xFFFFFFFF  }
0xb8: {  	_ =	strace $0x90000048  }
0xb9: {  	_ =	sfence  }
0xba: {  	s30 =	sld [smem:$0x0];
	_ =	sdelay $0x2  }
0xbb: {  	s31 =	sshll.u32 s1, $0xD;
	s1 =	sshrl.u32 s1, $0x2  }
0xbc: {  	s3 =	sand.u32 $0x4000, s31;
	s1 =	sadd.s32 s1, s30  }
0xbd: {  	s0 =	sor.u32 s3, s0;
	s1 =	sshll.u32 s1, $0x11  }
0xbe: {  	s0 =	sor.u32 s1, s0  }
0xbf: {  	s0 =	sadd.s32 $0x8F2B, s0  }
0xc0: {  	[sflag:s0] =	ssyncadd.remote.s32 $0x1  }
0xc1: {  	_ =	sfence.sel $0xFFFF  }
0xc2: {  	[dreg:$0x0] =	wrdreg $0xFFFFFFFF;
	(pc) =	sbr.abs _section_cstart, $3  }
0xc3: {  	[dreg:$0x1] =	wrdreg $0xFFFFFFFF  }
0xc4: {  	_ =	task.clear_ibuf [dreg:s9], $0x2FFFF;
	_ =	strace $0x9FFFFFFF  }
0xc5: {  	(tm) =	ssettm $0x7FFFFFFF  }
tec
execute0_lowered:
.L_overlay_start_1:
0x0: {  	(tag) =	ssettag $0x1  }
0x1: {  	v0 =	vimm.s32 $0x1380;
	vm14 =	vcmask $0x300;
	vm13 =	vcmask $0x704  }
0x2: {  	vm12 =	vcmask $0xB08;
	vm11 =	vcmask $0xF0C;
	vm10 =	vcmask $0x1310  }
0x3: {  	vm9 =	vcmask $0x1714;
	vm8 =	vcmask $0x1B18;
	vm7 =	vcmask $0x1F1C  }
0x4: {  	vm6 =	vcmask $0x2320;
	vm5 =	vcmask $0x2724;
	vm4 =	vcmask $0x2B28  }
0x5: {  	vm3 =	vcmask $0x2F2C;
	v1 =	vlaneseq.u32;
	vm2 =	vcmask $0x3330  }
0x6: {  	vm1 =	vcmask $0x3734;
	vm0 =	vcmask $0x3B38;
	v3 =	vimm.s32 $0x3380  }
0x7: {  	v4 =	vimm.s32 $0x5380;
	v5 =	vimm.s32 $0x7380;
	v0 =	vsel vm14, $0x0, v0  }
0x8: {  	v3 =	vsel vm14, $0x2000, v3;
	v4 =	vsel vm14, $0x4000, v4;
	v5 =	vsel vm14, $0x6000, v5  }
0x9: {  	v0 =	vsel vm13, $0x80, v0;
	v3 =	vsel vm13, $0x2080, v3;
	v4 =	vsel vm13, $0x4080, v4  }
0xa: {  	v5 =	vsel vm13, $0x6080, v5;
	v0 =	vsel vm12, $0x100, v0;
	v3 =	vsel vm12, $0x2100, v3  }
0xb: {  	v4 =	vsel vm12, $0x4100, v4;
	v5 =	vsel vm12, $0x6100, v5;
	v0 =	vsel vm11, $0x180, v0  }
0xc: {  	v3 =	vsel vm11, $0x2180, v3;
	v4 =	vsel vm11, $0x4180, v4;
	v5 =	vsel vm11, $0x6180, v5  }
0xd: {  	v0 =	vsel vm10, $0x200, v0;
	v3 =	vsel vm10, $0x2200, v3;
	v4 =	vsel vm10, $0x4200, v4  }
0xe: {  	s0 =	rddreg [dreg:$0x0];
	v5 =	vsel vm10, $0x6200, v5;
	v0 =	vsel vm9, $0x280, v0;
	v3 =	vsel vm9, $0x2280, v3  }
0xf: {  	s1 =	rddreg [dreg:$0x1];
	v4 =	vsel vm9, $0x4280, v4;
	v5 =	vsel vm9, $0x6280, v5;
	v0 =	vsel vm8, $0x300, v0  }
0x10: {  	s2 =	rddreg [dreg:$0x2];
	s3 =	srdreg.scid;
	v3 =	vsel vm8, $0x2300, v3;
	v4 =	vsel vm8, $0x4300, v4;
	v5 =	vsel vm8, $0x6300, v5  }
0x11: {  	s4 =	stileid.u32;
	s6 =	simm.s32 $0x0;
	s8 =	simm.s32 $0x7A1400;
	v0 =	vsel vm7, $0x380, v0;
	v3 =	vsel vm7, $0x2380, v3;
	v4 =	vsel vm7, $0x4380, v4  }
0x12: {  	s7 =	simm.s32 $0x9;
	s9 =	simm.s32 $0x8600;
	s10 =	simm.s32 $0xA600;
	v5 =	vsel vm7, $0x6380, v5;
	v0 =	vsel vm6, $0x1000, v0;
	v3 =	vsel vm6, $0x3000, v3  }
0x13: {  	s11 =	simm.s32 $0xC600;
	s12 =	simm.s32 $0xE600;
	s13 =	simm.s32 $0x10600;
	v4 =	vsel vm6, $0x5000, v4;
	v5 =	vsel vm6, $0x7000, v5;
	v0 =	vsel vm5, $0x1080, v0  }
0x14: {  	s14 =	simm.s32 $0x12600;
	s15 =	simm.s32 $0x14600;
	s16 =	simm.s32 $0x400;
	v3 =	vsel vm5, $0x3080, v3;
	v4 =	vsel vm5, $0x5080, v4;
	v5 =	vsel vm5, $0x7080, v5  }
0x15: {  	s17 =	simm.s32 $0x16600;
	s18 =	simm.s32 $0x1;
	s19 =	simm.s32 $0x600;
	v0 =	vsel vm4, $0x1100, v0;
	v3 =	vsel vm4, $0x3100, v3;
	v4 =	vsel vm4, $0x5100, v4  }
0x16: {  	s20 =	simm.s32 $0x2;
	s21 =	simm.s32 $0x3;
	s22 =	simm.s32 $0x4;
	v5 =	vsel vm4, $0x7100, v5;
	v2 =	vsel vm3, $0x1180, v0;
	v0 =	vmul.u32 $0x80, v1  }
0x17: {  	s23 =	simm.s32 $0x5;
	s24 =	simm.s32 $0x6;
	s25 =	simm.s32 $0x7;
	v3 =	vsel vm3, $0x3180, v3;
	v4 =	vsel vm3, $0x5180, v4;
	v5 =	vsel vm3, $0x7180, v5  }
0x18: {  	s26 =	simm.s32 $0x8;
	s30 =	simm.s32 $0x0;
	s3 =	sand.u32 $0x1, s3;
	v1 =	vsel vm2, $0x1200, v2;
	v3 =	vsel vm2, $0x3200, v3;
	v6 =	vsel vm2, $0x5200, v4  }
0x19: {  	s4 =	sshll.u32 s4, $0xA;
	s5 =	sshll.u32 s3, $0x9;
	s3 =	ssub.s32 $0x2, s3;
	v5 =	vsel vm2, $0x7200, v5;
	v1 =	vsel vm1, $0x1280, v1;
	v2 =	vor.u32 $0x800, v0  }
0x1a: {  	[smem:$0x7FF] =	sst s6;
	s5 =	sor.u32 s5, s4;
	s29 =	sshrl.u32 s3, $0x1;
	v3 =	vsel vm1, $0x3280, v3;
	v4 =	vor.u32 $0x1000, v0;
	v6 =	vsel vm1, $0x5280, v6  }
0x1b: {  	_ =	strace $0x80000047;
	s31 =	sshrl.u32 s5, $0x3;
	s3 =	ssub.s32 s3, s29;
	v7 =	vsel vm1, $0x7280, v5;
	v1 =	vsel vm0, $0x1300, v1;
	v3 =	vsel vm0, $0x3300, v3  }
0x1c: {  	s5 =	sadd.s32 s2, s5;
	s4 =	sadd.s32 s1, s31;
	s6 =	smax.u32 s3, $0x1;
	v5 =	vsel vm0, $0x5300, v6;
	v6 =	vor.u32 $0x1800, v0;
	v7 =	vsel vm0, $0x7300, v7  }
.LBB2_1:
0x1d: {  	s1 =	simm.s32 $0x0  }
0x1e: {  	[tilespmem:s1], [sflag:$0x9] =	stream.linear.gather [hbm4b:s4+s1], $0x200, $0x38;
	[tilespmem:$0x18600] =	vst v63  }
0x1f: {  	_ =	swait.ge [sflag:s7], $0x200  }
0x20: {  	[sflag:s7] =	ssyncset.done $0x0  }
0x21: {  	s1 =	simm.s32 $0x0;
	[sflag:s7] =	ssyncadd.s32 $0xFFFFFE00  }
0x22: {  	v8 =	vld [tilespmem:s1+$0x0]  }
0x23: {  	s2 =	simm.s32 $0x40  }
.LBB2_2:
0x24: {  	p0 =	sne.s32 s2, $0x7C0  }
.Ltmp0:
0x25: {  	_ = 	snop;
	(pc) =	sbr.rel @p0 .LBB2_2-.Ltmp0, $4  }
0x26: {  	_ = 	snop  }
0x27: {  	s3 =	sshra.s32 s2, $0x2;
	s2 =	sadd.s32 $0x40, s2;
	v9 =	vshrl.u32 v8, $0x7;
	v10 =	vand.u32 $0x7F, v8  }
0x28: {  	v8 =	vld [tilespmem:s3+$0x0];
	[tilespmem:s1+$0x400] =	vst v10  }
0x29: {  	[tilespmem:s1+$0x200] =	vst v9;
	s1 =	smov.u32 s3  }
0x2a: {  	_ =	sdelay $0x2  }
0x2b: {  	v9 =	vand.u32 $0x7F, v8  }
0x2c: {  	v8 =	vshrl.u32 v8, $0x7;
	[tilespmem:s1+$0x400] =	vst v9  }
0x2d: {  	[tilespmem:s1+$0x200] =	vst v8  }
0x2e: {  	v8 =	vld [tilespmem:$0x200];
	_ =	sdelay $0x4  }
0x2f: {  	v8 =	vshll.u32 v8, $0x7  }
0x30: {  	(v2sf) =	vpush v8, $0x0;
	_ =	sdelay $0x1  }
0x31: {  	(v2sf) =	vpush v8, $0x1;
	_ =	sdelay $0x3  }
0x32: {  	(v2sf) =	vpush v8, $0x2  }
0x33: {  	(v2sf) =	vpush v8, $0x3;
	_ =	sdelay $0x1  }
0x34: {  	(v2sf) =	vpush v8, $0x4;
	_ =	sdelay $0x5  }
0x35: {  	s28 =	spop (v2sf);
	(v2sf) =	vpush v8, $0x5;
	_ =	sdelay $0x1  }
0x36: {  	s29 =	spop (v2sf);
	(v2sf) =	vpush v8, $0x6  }
0x37: {  	s1 =	sand.u32 $0x1FFFFF80, s28  }
0x38: {  	s31 =	simm.s32 $0x400;
	s1 =	sadd.s32 s0, s1  }
0x39: {  	[tilespmem:s9], [sflag:$0x1] =	stream.strided.gather [hbm4b:s1+s31], $0x2000, s8, s31, $0x38;
	[tilespmem:$0x18600] =	vst v63  }
0x3a: {  	s2 =	spop (v2sf);
	s1 =	sand.u32 $0x1FFFFF80, s29  }
0x3b: {  	s2 =	sand.u32 $0x1FFFFF80, s2;
	s3 =	spop (v2sf);
	s1 =	sadd.s32 s0, s1  }
0x3c: {  	[tilespmem:s10], [sflag:$0x2] =	stream.strided.gather [hbm4b:s1+s31], $0x2000, s8, s31, $0x38;
	[tilespmem:$0x18600] =	vst v63  }
0x3d: {  	s28 =	sand.u32 $0x1FFFFF80, s3;
	s29 =	spop (v2sf);
	s1 =	sadd.s32 s0, s2  }
0x3e: {  	[tilespmem:s11], [sflag:$0x3] =	stream.strided.gather [hbm4b:s1+s31], $0x2000, s8, s31, $0x38;
	[tilespmem:$0x18600] =	vst v63  }
0x3f: {  	s2 =	sand.u32 $0x1FFFFF80, s29;
	s1 =	sadd.s32 s0, s28  }
0x40: {  	[tilespmem:s12], [sflag:$0x4] =	stream.strided.gather [hbm4b:s1+s31], $0x2000, s8, s31, $0x38;
	[tilespmem:$0x18600] =	vst v63  }
0x41: {  	s1 =	sadd.s32 s0, s2  }
0x42: {  	[tilespmem:s13], [sflag:$0x5] =	stream.strided.gather [hbm4b:s1+s31], $0x2000, s8, s31, $0x38;
	[tilespmem:$0x18600] =	vst v63  }
0x43: {  	s3 =	spop (v2sf)  }
0x44: {  	s28 =	sand.u32 $0x1FFFFF80, s3  }
0x45: {  	s29 =	spop (v2sf);
	s1 =	sadd.s32 s0, s28  }
0x46: {  	[tilespmem:s14], [sflag:$0x6] =	stream.strided.gather [hbm4b:s1+s31], $0x2000, s8, s31, $0x38;
	[tilespmem:$0x18600] =	vst v63  }
0x47: {  	s1 =	sand.u32 $0x1FFFFF80, s29  }
0x48: {  	s1 =	sadd.s32 s0, s1  }
0x49: {  	[tilespmem:s15], [sflag:$0x7] =	stream.strided.gather [hbm4b:s1+s31], $0x2000, s8, s31, $0x38;
	[tilespmem:$0x18600] =	vst v63  }
0x4a: {  	s2 =	simm.s32 $0x1;
	s3 =	simm.s32 $0x200;
	s1 =	simm.s32 $0xF  }
.LBB2_4:
0x4b: {  	v8 =	vld [tilespmem:s3+$0x0];
	_ =	sdelay $0x4  }
0x4c: {  	v10 =	vshll.u32 v8, $0x7  }
0x4d: {  	(v2sf) =	vpush v10, $0x7;
	_ =	sdelay $0x9  }
0x4e: {  	v8 =	vld [tilespmem:s31+$0x0];
	_ =	sdelay $0x4  }
0x4f: {  	s28 =	smin.u32 s2, $0x1F;
	v11 =	vbroadcast v8, $0x0;
	s29 =	spop (v2sf)  }
0x50: {  	s28 =	sshll.u32 s28, $0x4;
	s29 =	sand.u32 $0x1FFFFF80, s29  }
0x51: {  	v9 =	vld [tilespmem:s28+$0x200];
	s28 =	sadd.s32 $0xFFFFFFF1, s1;
	v12 =	vadd.s32 v0, v11;
	s29 =	sadd.s32 s0, s29  }
0x52: {  	v13 =	vmov s28;
	[tilespmem:s17], [sflag:$0x8] =	stream.strided.gather [hbm4b:s29+s16], $0x2000, s8, s16, $0x38;
	[tilespmem:$0x18600] =	vst v63  }
0x53: {  	v14 =	vshll.u32 v13, $0x3;
	_ =	swait.ge [sflag:s18], $0x2000  }
0x54: {  	v13 =	vand.u32 $0x70, v13;
	v14 =	vand.u32 $0xC00, v14;
	[sflag:s18] =	ssyncset.done $0x0  }
0x55: {  	v13 =	vor.u32 v13, v14;
	[sflag:s18] =	ssyncadd.s32 $0xFFFFE000  }
0x56: {  	v14 =	vor.u32 v1, v13;
	v12 =	vld.idx.msk [tilespmem:v12+s9+$0x0], $0xffff  }
0x57: {  	v15 =	vadd.s32 v2, v11;
	_ =	sdelay $0x3  }
0x58: {  	[tilespmem:v14+s19+$0x0] =	vst.idx.msk $0xffff, v12  }
0x59: {  	v34 =	vor.u32 v3, v13;
	(v2sf) =	vpush v10, $0x8;
	v12 =	vld.idx.msk [tilespmem:v15+s9+$0x0], $0xffff  }
0x5a: {  	v35 =	vadd.s32 v4, v11;
	_ =	sdelay $0x3  }
0x5b: {  	[tilespmem:v34+s19+$0x0] =	vst.idx.msk $0xffff, v12  }
0x5c: {  	v36 =	vor.u32 v5, v13;
	v12 =	vld.idx.msk [tilespmem:v35+s9+$0x0], $0xffff  }
0x5d: {  	v11 =	vadd.s32 v6, v11;
	_ =	sdelay $0x3  }
0x5e: {  	[tilespmem:v36+s19+$0x0] =	vst.idx.msk $0xffff, v12  }
0x5f: {  	v37 =	vor.u32 v7, v13;
	v11 =	vld.idx.msk [tilespmem:v11+s9+$0x0], $0xffff;
	_ =	sdelay $0x2  }
0x60: {  	v38 =	vbroadcast v8, $0x1;
	s29 =	spop (v2sf)  }
0x61: {  	s28 =	sand.u32 $0x1FFFFF80, s29  }
0x62: {  	v39 =	vadd.s32 v0, v38;
	s29 =	sadd.s32 $0xFFFFFFF2, s1;
	s28 =	sadd.s32 s0, s28;
	[tilespmem:v37+s19+$0x0] =	vst.idx.msk $0xffff, v11  }
0x63: {  	v40 =	vmov s29;
	[tilespmem:s9], [sflag:$0x1] =	stream.strided.gather [hbm4b:s28+s16], $0x2000, s8, s16, $0x38;
	[tilespmem:$0x18600] =	vst v63  }
0x64: {  	v41 =	vshll.u32 v40, $0x3;
	_ =	swait.ge [sflag:s20], $0x2000  }
0x65: {  	v12 =	vand.u32 $0x71, v40;
	v14 =	vand.u32 $0xC00, v41;
	[sflag:s20] =	ssyncset.done $0x0  }
0x66: {  	v12 =	vor.u32 v12, v14;
	[sflag:s20] =	ssyncadd.s32 $0xFFFFE000  }
0x67: {  	v14 =	vor.u32 v1, v12;
	v11 =	vld.idx.msk [tilespmem:v39+s10+$0x0], $0xffff  }
0x68: {  	v42 =	vadd.s32 v2, v38;
	_ =	sdelay $0x3  }
0x69: {  	[tilespmem:v14+s19+$0x0] =	vst.idx.msk $0xffff, v11  }
0x6a: {  	v43 =	vor.u32 v3, v12;
	(v2sf) =	vpush v10, $0x9;
	v11 =	vld.idx.msk [tilespmem:v42+s10+$0x0], $0xffff  }
0x6b: {  	v44 =	vadd.s32 v4, v38;
	_ =	sdelay $0x3  }
0x6c: {  	[tilespmem:v43+s19+$0x0] =	vst.idx.msk $0xffff, v11  }
0x6d: {  	v45 =	vor.u32 v5, v12;
	v11 =	vld.idx.msk [tilespmem:v44+s10+$0x0], $0xffff  }
0x6e: {  	v13 =	vadd.s32 v6, v38;
	_ =	sdelay $0x3  }
0x6f: {  	[tilespmem:v45+s19+$0x0] =	vst.idx.msk $0xffff, v11  }
0x70: {  	v12 =	vor.u32 v7, v12;
	v11 =	vld.idx.msk [tilespmem:v13+s10+$0x0], $0xffff;
	_ =	sdelay $0x2  }
0x71: {  	v46 =	vbroadcast v8, $0x2;
	s29 =	spop (v2sf)  }
0x72: {  	s28 =	sand.u32 $0x1FFFFF80, s29  }
0x73: {  	v47 =	vadd.s32 v0, v46;
	s29 =	sadd.s32 $0xFFFFFFF3, s1;
	s28 =	sadd.s32 s0, s28;
	[tilespmem:v12+s19+$0x0] =	vst.idx.msk $0xffff, v11  }
0x74: {  	v48 =	vmov s29;
	[tilespmem:s10], [sflag:$0x2] =	stream.strided.gather [hbm4b:s28+s16], $0x2000, s8, s16, $0x38;
	[tilespmem:$0x18600] =	vst v63  }
0x75: {  	v49 =	vshll.u32 v48, $0x3;
	_ =	swait.ge [sflag:s21], $0x2000  }
0x76: {  	v14 =	vand.u32 $0xC00, v49;
	v12 =	vand.u32 $0x72, v48;
	[sflag:s21] =	ssyncset.done $0x0  }
0x77: {  	v12 =	vor.u32 v12, v14;
	[sflag:s21] =	ssyncadd.s32 $0xFFFFE000  }
0x78: {  	v14 =	vor.u32 v1, v12;
	v11 =	vld.idx.msk [tilespmem:v47+s11+$0x0], $0xffff  }
0x79: {  	v50 =	vadd.s32 v2, v46;
	_ =	sdelay $0x3  }
0x7a: {  	[tilespmem:v14+s19+$0x0] =	vst.idx.msk $0xffff, v11  }
0x7b: {  	v51 =	vor.u32 v3, v12;
	(v2sf) =	vpush v10, $0xA;
	v11 =	vld.idx.msk [tilespmem:v50+s11+$0x0], $0xffff  }
0x7c: {  	v52 =	vadd.s32 v4, v46;
	_ =	sdelay $0x3  }
0x7d: {  	[tilespmem:v51+s19+$0x0] =	vst.idx.msk $0xffff, v11  }
0x7e: {  	v53 =	vor.u32 v5, v12;
	v11 =	vld.idx.msk [tilespmem:v52+s11+$0x0], $0xffff  }
0x7f: {  	v13 =	vadd.s32 v6, v46;
	_ =	sdelay $0x3  }
0x80: {  	[tilespmem:v53+s19+$0x0] =	vst.idx.msk $0xffff, v11  }
0x81: {  	v12 =	vor.u32 v7, v12;
	v11 =	vld.idx.msk [tilespmem:v13+s11+$0x0], $0xffff;
	_ =	sdelay $0x2  }
0x82: {  	v54 =	vbroadcast v8, $0x3;
	s29 =	spop (v2sf)  }
0x83: {  	s28 =	sand.u32 $0x1FFFFF80, s29  }
0x84: {  	v55 =	vadd.s32 v0, v54;
	s29 =	sadd.s32 $0xFFFFFFF4, s1;
	s28 =	sadd.s32 s0, s28;
	[tilespmem:v12+s19+$0x0] =	vst.idx.msk $0xffff, v11  }
0x85: {  	v56 =	vmov s29;
	[tilespmem:s11], [sflag:$0x3] =	stream.strided.gather [hbm4b:s28+s16], $0x2000, s8, s16, $0x38;
	[tilespmem:$0x18600] =	vst v63  }
0x86: {  	v57 =	vshll.u32 v56, $0x3;
	_ =	swait.ge [sflag:s22], $0x2000  }
0x87: {  	v14 =	vand.u32 $0xC00, v57;
	v12 =	vand.u32 $0x73, v56;
	[sflag:s22] =	ssyncset.done $0x0  }
0x88: {  	v12 =	vor.u32 v12, v14;
	[sflag:s22] =	ssyncadd.s32 $0xFFFFE000  }
0x89: {  	v14 =	vor.u32 v1, v12;
	v11 =	vld.idx.msk [tilespmem:v55+s12+$0x0], $0xffff  }
0x8a: {  	v58 =	vadd.s32 v2, v54;
	_ =	sdelay $0x3  }
0x8b: {  	[tilespmem:v14+s19+$0x0] =	vst.idx.msk $0xffff, v11  }
0x8c: {  	v59 =	vor.u32 v3, v12;
	(v2sf) =	vpush v10, $0xB;
	v11 =	vld.idx.msk [tilespmem:v58+s12+$0x0], $0xffff  }
0x8d: {  	v60 =	vadd.s32 v4, v54;
	_ =	sdelay $0x3  }
0x8e: {  	[tilespmem:v59+s19+$0x0] =	vst.idx.msk $0xffff, v11  }
0x8f: {  	v61 =	vor.u32 v5, v12;
	v11 =	vld.idx.msk [tilespmem:v60+s12+$0x0], $0xffff  }
0x90: {  	v13 =	vadd.s32 v6, v54;
	_ =	sdelay $0x3  }
0x91: {  	[tilespmem:v61+s19+$0x0] =	vst.idx.msk $0xffff, v11  }
0x92: {  	v12 =	vor.u32 v7, v12;
	v11 =	vld.idx.msk [tilespmem:v13+s12+$0x0], $0xffff;
	_ =	sdelay $0x2  }
0x93: {  	v62 =	vbroadcast v8, $0x4;
	s29 =	spop (v2sf)  }
0x94: {  	s28 =	sand.u32 $0x1FFFFF80, s29  }
0x95: {  	v63 =	vadd.s32 v0, v62;
	s29 =	sadd.s32 $0xFFFFFFF5, s1;
	s28 =	sadd.s32 s0, s28;
	[tilespmem:v12+s19+$0x0] =	vst.idx.msk $0xffff, v11  }
0x96: {  	v16 =	vmov s29;
	[tilespmem:s12], [sflag:$0x4] =	stream.strided.gather [hbm4b:s28+s16], $0x2000, s8, s16, $0x38;
	[tilespmem:$0x18600] =	vst v63  }
0x97: {  	v17 =	vshll.u32 v16, $0x3;
	_ =	swait.ge [sflag:s23], $0x2000  }
0x98: {  	v14 =	vand.u32 $0xC00, v17;
	v12 =	vand.u32 $0x74, v16;
	[sflag:s23] =	ssyncset.done $0x0  }
0x99: {  	v12 =	vor.u32 v12, v14;
	[sflag:s23] =	ssyncadd.s32 $0xFFFFE000  }
0x9a: {  	v14 =	vor.u32 v1, v12;
	v11 =	vld.idx.msk [tilespmem:v63+s13+$0x0], $0xffff  }
0x9b: {  	v18 =	vadd.s32 v2, v62;
	_ =	sdelay $0x3  }
0x9c: {  	[tilespmem:v14+s19+$0x0] =	vst.idx.msk $0xffff, v11  }
0x9d: {  	v19 =	vor.u32 v3, v12;
	(v2sf) =	vpush v10, $0xC;
	v11 =	vld.idx.msk [tilespmem:v18+s13+$0x0], $0xffff  }
0x9e: {  	v20 =	vadd.s32 v4, v62;
	_ =	sdelay $0x3  }
0x9f: {  	[tilespmem:v19+s19+$0x0] =	vst.idx.msk $0xffff, v11  }
0xa0: {  	v21 =	vor.u32 v5, v12;
	v11 =	vld.idx.msk [tilespmem:v20+s13+$0x0], $0xffff  }
0xa1: {  	v13 =	vadd.s32 v6, v62;
	_ =	sdelay $0x3  }
0xa2: {  	[tilespmem:v21+s19+$0x0] =	vst.idx.msk $0xffff, v11  }
0xa3: {  	v12 =	vor.u32 v7, v12;
	v11 =	vld.idx.msk [tilespmem:v13+s13+$0x0], $0xffff;
	_ =	sdelay $0x2  }
0xa4: {  	v22 =	vbroadcast v8, $0x5;
	s29 =	spop (v2sf)  }
0xa5: {  	s28 =	sand.u32 $0x1FFFFF80, s29  }
0xa6: {  	v23 =	vadd.s32 v0, v22;
	s29 =	sadd.s32 $0xFFFFFFF6, s1;
	s28 =	sadd.s32 s0, s28;
	[tilespmem:v12+s19+$0x0] =	vst.idx.msk $0xffff, v11  }
0xa7: {  	v24 =	vmov s29;
	[tilespmem:s13], [sflag:$0x5] =	stream.strided.gather [hbm4b:s28+s16], $0x2000, s8, s16, $0x38;
	[tilespmem:$0x18600] =	vst v63  }
0xa8: {  	v25 =	vshll.u32 v24, $0x3;
	_ =	swait.ge [sflag:s24], $0x2000  }
0xa9: {  	v14 =	vand.u32 $0xC00, v25;
	v12 =	vand.u32 $0x75, v24;
	[sflag:s24] =	ssyncset.done $0x0  }
0xaa: {  	v12 =	vor.u32 v12, v14;
	[sflag:s24] =	ssyncadd.s32 $0xFFFFE000  }
0xab: {  	v14 =	vor.u32 v1, v12;
	v11 =	vld.idx.msk [tilespmem:v23+s14+$0x0], $0xffff  }
0xac: {  	v26 =	vadd.s32 v2, v22;
	_ =	sdelay $0x3  }
0xad: {  	[tilespmem:v14+s19+$0x0] =	vst.idx.msk $0xffff, v11  }
0xae: {  	v27 =	vor.u32 v3, v12;
	(v2sf) =	vpush v10, $0xD;
	v11 =	vld.idx.msk [tilespmem:v26+s14+$0x0], $0xffff  }
0xaf: {  	v28 =	vadd.s32 v4, v22;
	_ =	sdelay $0x3  }
0xb0: {  	[tilespmem:v27+s19+$0x0] =	vst.idx.msk $0xffff, v11  }
0xb1: {  	v29 =	vor.u32 v5, v12;
	v11 =	vld.idx.msk [tilespmem:v28+s14+$0x0], $0xffff  }
0xb2: {  	v13 =	vadd.s32 v6, v22;
	_ =	sdelay $0x3  }
0xb3: {  	[tilespmem:v29+s19+$0x0] =	vst.idx.msk $0xffff, v11  }
0xb4: {  	v12 =	vor.u32 v7, v12;
	v11 =	vld.idx.msk [tilespmem:v13+s14+$0x0], $0xffff;
	_ =	sdelay $0x2  }
0xb5: {  	v30 =	vbroadcast v8, $0x6;
	s29 =	spop (v2sf)  }
0xb6: {  	s28 =	sand.u32 $0x1FFFFF80, s29  }
0xb7: {  	v31 =	vadd.s32 v0, v30;
	s29 =	sadd.s32 $0xFFFFFFF7, s1;
	s28 =	sadd.s32 s0, s28;
	[tilespmem:v12+s19+$0x0] =	vst.idx.msk $0xffff, v11  }
0xb8: {  	v32 =	vmov s29;
	[tilespmem:s14], [sflag:$0x6] =	stream.strided.gather [hbm4b:s28+s16], $0x2000, s8, s16, $0x38;
	[tilespmem:$0x18600] =	vst v63  }
0xb9: {  	v33 =	vshll.u32 v32, $0x3;
	_ =	swait.ge [sflag:s25], $0x2000  }
0xba: {  	v14 =	vand.u32 $0xC00, v33;
	v12 =	vand.u32 $0x76, v32;
	[sflag:s25] =	ssyncset.done $0x0  }
0xbb: {  	v12 =	vor.u32 v12, v14;
	[sflag:s25] =	ssyncadd.s32 $0xFFFFE000  }
0xbc: {  	v14 =	vor.u32 v1, v12;
	v11 =	vld.idx.msk [tilespmem:v31+s15+$0x0], $0xffff  }
0xbd: {  	v34 =	vadd.s32 v2, v30;
	_ =	sdelay $0x3  }
0xbe: {  	[tilespmem:v14+s19+$0x0] =	vst.idx.msk $0xffff, v11  }
0xbf: {  	v35 =	vor.u32 v3, v12;
	(v2sf) =	vpush v10, $0xE;
	v11 =	vld.idx.msk [tilespmem:v34+s15+$0x0], $0xffff  }
0xc0: {  	v36 =	vadd.s32 v4, v30;
	_ =	sdelay $0x3  }
0xc1: {  	[tilespmem:v35+s19+$0x0] =	vst.idx.msk $0xffff, v11  }
0xc2: {  	v37 =	vor.u32 v5, v12;
	v11 =	vld.idx.msk [tilespmem:v36+s15+$0x0], $0xffff  }
0xc3: {  	v13 =	vadd.s32 v6, v30;
	_ =	sdelay $0x3  }
0xc4: {  	[tilespmem:v37+s19+$0x0] =	vst.idx.msk $0xffff, v11  }
0xc5: {  	v12 =	vor.u32 v7, v12;
	v11 =	vld.idx.msk [tilespmem:v13+s15+$0x0], $0xffff;
	_ =	sdelay $0x2  }
0xc6: {  	v38 =	vbroadcast v8, $0x7;
	s29 =	spop (v2sf)  }
0xc7: {  	s28 =	sand.u32 $0x1FFFFF80, s29  }
0xc8: {  	v39 =	vadd.s32 v0, v38;
	s29 =	sadd.s32 $0xFFFFFFF8, s1;
	s28 =	sadd.s32 s0, s28;
	[tilespmem:v12+s19+$0x0] =	vst.idx.msk $0xffff, v11  }
0xc9: {  	v40 =	vmov s29;
	[tilespmem:s15], [sflag:$0x7] =	stream.strided.gather [hbm4b:s28+s16], $0x2000, s8, s16, $0x38;
	[tilespmem:$0x18600] =	vst v63  }
0xca: {  	v41 =	vshll.u32 v40, $0x3;
	_ =	swait.ge [sflag:s26], $0x2000  }
0xcb: {  	v14 =	vand.u32 $0xC00, v41;
	v12 =	vand.u32 $0x77, v40;
	[sflag:s26] =	ssyncset.done $0x0  }
0xcc: {  	v12 =	vor.u32 v12, v14;
	[sflag:s26] =	ssyncadd.s32 $0xFFFFE000  }
0xcd: {  	v14 =	vor.u32 v1, v12;
	v11 =	vld.idx.msk [tilespmem:v39+s17+$0x0], $0xffff  }
0xce: {  	v42 =	vadd.s32 v2, v38;
	_ =	sdelay $0x3  }
0xcf: {  	[tilespmem:v14+s19+$0x0] =	vst.idx.msk $0xffff, v11  }
0xd0: {  	v43 =	vor.u32 v3, v12;
	(v2sf) =	vpush v10, $0xF;
	v11 =	vld.idx.msk [tilespmem:v42+s17+$0x0], $0xffff  }
0xd1: {  	v44 =	vadd.s32 v4, v38;
	_ =	sdelay $0x3  }
0xd2: {  	[tilespmem:v43+s19+$0x0] =	vst.idx.msk $0xffff, v11  }
0xd3: {  	v45 =	vor.u32 v5, v12;
	v10 =	vld.idx.msk [tilespmem:v44+s17+$0x0], $0xffff  }
0xd4: {  	v13 =	vadd.s32 v6, v38;
	_ =	sdelay $0x3  }
0xd5: {  	[tilespmem:v45+s19+$0x0] =	vst.idx.msk $0xffff, v10  }
0xd6: {  	v46 =	vor.u32 v7, v12;
	v10 =	vld.idx.msk [tilespmem:v13+s17+$0x0], $0xffff;
	_ =	sdelay $0x2  }
0xd7: {  	v47 =	vbroadcast v8, $0x8;
	s29 =	spop (v2sf)  }
0xd8: {  	s28 =	sand.u32 $0x1FFFFF80, s29  }
0xd9: {  	v48 =	vadd.s32 v0, v47;
	s29 =	sadd.s32 $0xFFFFFFF9, s1;
	s28 =	sadd.s32 s0, s28;
	[tilespmem:v46+s19+$0x0] =	vst.idx.msk $0xffff, v10  }
0xda: {  	v49 =	vmov s29;
	[tilespmem:s17], [sflag:$0x8] =	stream.strided.gather [hbm4b:s28+s16], $0x2000, s8, s16, $0x38;
	[tilespmem:$0x18600] =	vst v63  }
0xdb: {  	v50 =	vshll.u32 v49, $0x3;
	_ =	swait.ge [sflag:s18], $0x2000  }
0xdc: {  	v11 =	vand.u32 $0x78, v49;
	v13 =	vand.u32 $0xC00, v50;
	[sflag:s18] =	ssyncset.done $0x0  }
0xdd: {  	v11 =	vor.u32 v11, v13;
	[sflag:s18] =	ssyncadd.s32 $0xFFFFE000  }
0xde: {  	v13 =	vor.u32 v1, v11;
	v10 =	vld.idx.msk [tilespmem:v48+s9+$0x0], $0xffff  }
0xdf: {  	v51 =	vadd.s32 v2, v47;
	_ =	sdelay $0x3  }
0xe0: {  	v9 =	vshll.u32 v9, $0x7;
	[tilespmem:v13+s19+$0x0] =	vst.idx.msk $0xffff, v10  }
0xe1: {  	v52 =	vor.u32 v3, v11;
	(v2sf) =	vpush v9, $0x0;
	v10 =	vld.idx.msk [tilespmem:v51+s9+$0x0], $0xffff  }
0xe2: {  	v53 =	vadd.s32 v4, v47;
	_ =	sdelay $0x3  }
0xe3: {  	[tilespmem:v52+s19+$0x0] =	vst.idx.msk $0xffff, v10  }
0xe4: {  	v54 =	vor.u32 v5, v11;
	v10 =	vld.idx.msk [tilespmem:v53+s9+$0x0], $0xffff  }
0xe5: {  	v12 =	vadd.s32 v6, v47;
	_ =	sdelay $0x3  }
0xe6: {  	[tilespmem:v54+s19+$0x0] =	vst.idx.msk $0xffff, v10  }
0xe7: {  	v11 =	vor.u32 v7, v11;
	v10 =	vld.idx.msk [tilespmem:v12+s9+$0x0], $0xffff;
	_ =	sdelay $0x2  }
0xe8: {  	v55 =	vbroadcast v8, $0x9;
	s29 =	spop (v2sf)  }
0xe9: {  	s28 =	sand.u32 $0x1FFFFF80, s29  }
0xea: {  	v56 =	vadd.s32 v0, v55;
	s29 =	sadd.s32 $0xFFFFFFFA, s1;
	s28 =	sadd.s32 s0, s28;
	[tilespmem:v11+s19+$0x0] =	vst.idx.msk $0xffff, v10  }
0xeb: {  	v57 =	vmov s29;
	[tilespmem:s9], [sflag:$0x1] =	stream.strided.gather [hbm4b:s28+s16], $0x2000, s8, s16, $0x38;
	[tilespmem:$0x18600] =	vst v63  }
0xec: {  	v58 =	vshll.u32 v57, $0x3;
	_ =	swait.ge [sflag:s20], $0x2000  }
0xed: {  	v13 =	vand.u32 $0xC00, v58;
	v11 =	vand.u32 $0x79, v57;
	[sflag:s20] =	ssyncset.done $0x0  }
0xee: {  	v11 =	vor.u32 v11, v13;
	[sflag:s20] =	ssyncadd.s32 $0xFFFFE000  }
0xef: {  	v13 =	vor.u32 v1, v11;
	v10 =	vld.idx.msk [tilespmem:v56+s10+$0x0], $0xffff  }
0xf0: {  	v59 =	vadd.s32 v2, v55;
	_ =	sdelay $0x3  }
0xf1: {  	[tilespmem:v13+s19+$0x0] =	vst.idx.msk $0xffff, v10  }
0xf2: {  	v60 =	vor.u32 v3, v11;
	(v2sf) =	vpush v9, $0x1;
	v10 =	vld.idx.msk [tilespmem:v59+s10+$0x0], $0xffff  }
0xf3: {  	v61 =	vadd.s32 v4, v55;
	_ =	sdelay $0x3  }
0xf4: {  	[tilespmem:v60+s19+$0x0] =	vst.idx.msk $0xffff, v10  }
0xf5: {  	v62 =	vor.u32 v5, v11;
	v10 =	vld.idx.msk [tilespmem:v61+s10+$0x0], $0xffff  }
0xf6: {  	v12 =	vadd.s32 v6, v55;
	_ =	sdelay $0x3  }
0xf7: {  	[tilespmem:v62+s19+$0x0] =	vst.idx.msk $0xffff, v10  }
0xf8: {  	v11 =	vor.u32 v7, v11;
	v10 =	vld.idx.msk [tilespmem:v12+s10+$0x0], $0xffff;
	_ =	sdelay $0x2  }
0xf9: {  	v63 =	vbroadcast v8, $0xA;
	s29 =	spop (v2sf)  }
0xfa: {  	s28 =	sand.u32 $0x1FFFFF80, s29  }
0xfb: {  	v16 =	vadd.s32 v0, v63;
	s29 =	sadd.s32 $0xFFFFFFFB, s1;
	s28 =	sadd.s32 s0, s28;
	[tilespmem:v11+s19+$0x0] =	vst.idx.msk $0xffff, v10  }
0xfc: {  	v17 =	vmov s29;
	[tilespmem:s10], [sflag:$0x2] =	stream.strided.gather [hbm4b:s28+s16], $0x2000, s8, s16, $0x38;
	[tilespmem:$0x18600] =	vst v63  }
0xfd: {  	v18 =	vshll.u32 v17, $0x3;
	_ =	swait.ge [sflag:s21], $0x2000  }
0xfe: {  	v13 =	vand.u32 $0xC00, v18;
	v11 =	vand.u32 $0x7A, v17;
	[sflag:s21] =	ssyncset.done $0x0  }
0xff: {  	v11 =	vor.u32 v11, v13;
	[sflag:s21] =	ssyncadd.s32 $0xFFFFE000  }
0x100: {  	v13 =	vor.u32 v1, v11;
	v10 =	vld.idx.msk [tilespmem:v16+s11+$0x0], $0xffff  }
0x101: {  	v19 =	vadd.s32 v2, v63;
	_ =	sdelay $0x3  }
0x102: {  	[tilespmem:v13+s19+$0x0] =	vst.idx.msk $0xffff, v10  }
0x103: {  	v20 =	vor.u32 v3, v11;
	(v2sf) =	vpush v9, $0x2;
	v10 =	vld.idx.msk [tilespmem:v19+s11+$0x0], $0xffff  }
0x104: {  	v21 =	vadd.s32 v4, v63;
	_ =	sdelay $0x3  }
0x105: {  	[tilespmem:v20+s19+$0x0] =	vst.idx.msk $0xffff, v10  }
0x106: {  	v22 =	vor.u32 v5, v11;
	v10 =	vld.idx.msk [tilespmem:v21+s11+$0x0], $0xffff  }
0x107: {  	v12 =	vadd.s32 v6, v63;
	_ =	sdelay $0x3  }
0x108: {  	[tilespmem:v22+s19+$0x0] =	vst.idx.msk $0xffff, v10  }
0x109: {  	v11 =	vor.u32 v7, v11;
	v10 =	vld.idx.msk [tilespmem:v12+s11+$0x0], $0xffff;
	_ =	sdelay $0x2  }
0x10a: {  	v23 =	vbroadcast v8, $0xB;
	s29 =	spop (v2sf)  }
0x10b: {  	s28 =	sand.u32 $0x1FFFFF80, s29  }
0x10c: {  	v24 =	vadd.s32 v0, v23;
	s29 =	sadd.s32 $0xFFFFFFFC, s1;
	s28 =	sadd.s32 s0, s28;
	[tilespmem:v11+s19+$0x0] =	vst.idx.msk $0xffff, v10  }
0x10d: {  	v25 =	vmov s29;
	[tilespmem:s11], [sflag:$0x3] =	stream.strided.gather [hbm4b:s28+s16], $0x2000, s8, s16, $0x38;
	[tilespmem:$0x18600] =	vst v63  }
0x10e: {  	v26 =	vshll.u32 v25, $0x3;
	_ =	swait.ge [sflag:s22], $0x2000  }
0x10f: {  	v13 =	vand.u32 $0xC00, v26;
	v11 =	vand.u32 $0x7B, v25;
	[sflag:s22] =	ssyncset.done $0x0  }
0x110: {  	v11 =	vor.u32 v11, v13;
	[sflag:s22] =	ssyncadd.s32 $0xFFFFE000  }
0x111: {  	v13 =	vor.u32 v1, v11;
	v10 =	vld.idx.msk [tilespmem:v24+s12+$0x0], $0xffff  }
0x112: {  	v27 =	vadd.s32 v2, v23;
	_ =	sdelay $0x3  }
0x113: {  	[tilespmem:v13+s19+$0x0] =	vst.idx.msk $0xffff, v10  }
0x114: {  	v28 =	vor.u32 v3, v11;
	(v2sf) =	vpush v9, $0x3;
	v10 =	vld.idx.msk [tilespmem:v27+s12+$0x0], $0xffff  }
0x115: {  	v29 =	vadd.s32 v4, v23;
	_ =	sdelay $0x3  }
0x116: {  	[tilespmem:v28+s19+$0x0] =	vst.idx.msk $0xffff, v10  }
0x117: {  	v30 =	vor.u32 v5, v11;
	v10 =	vld.idx.msk [tilespmem:v29+s12+$0x0], $0xffff  }
0x118: {  	v12 =	vadd.s32 v6, v23;
	_ =	sdelay $0x3  }
0x119: {  	[tilespmem:v30+s19+$0x0] =	vst.idx.msk $0xffff, v10  }
0x11a: {  	v11 =	vor.u32 v7, v11;
	v10 =	vld.idx.msk [tilespmem:v12+s12+$0x0], $0xffff;
	_ =	sdelay $0x2  }
0x11b: {  	v31 =	vbroadcast v8, $0xC;
	s29 =	spop (v2sf)  }
0x11c: {  	s28 =	sand.u32 $0x1FFFFF80, s29  }
0x11d: {  	v32 =	vadd.s32 v0, v31;
	s29 =	sadd.s32 $0xFFFFFFFD, s1;
	s28 =	sadd.s32 s0, s28;
	[tilespmem:v11+s19+$0x0] =	vst.idx.msk $0xffff, v10  }
0x11e: {  	v33 =	vmov s29;
	[tilespmem:s12], [sflag:$0x4] =	stream.strided.gather [hbm4b:s28+s16], $0x2000, s8, s16, $0x38;
	[tilespmem:$0x18600] =	vst v63  }
0x11f: {  	v34 =	vshll.u32 v33, $0x3;
	_ =	swait.ge [sflag:s23], $0x2000  }
0x120: {  	v13 =	vand.u32 $0xC00, v34;
	v11 =	vand.u32 $0x7C, v33;
	[sflag:s23] =	ssyncset.done $0x0  }
0x121: {  	v11 =	vor.u32 v11, v13;
	[sflag:s23] =	ssyncadd.s32 $0xFFFFE000  }
0x122: {  	v13 =	vor.u32 v1, v11;
	v10 =	vld.idx.msk [tilespmem:v32+s13+$0x0], $0xffff  }
0x123: {  	v35 =	vadd.s32 v2, v31;
	_ =	sdelay $0x3  }
0x124: {  	[tilespmem:v13+s19+$0x0] =	vst.idx.msk $0xffff, v10  }
0x125: {  	v36 =	vor.u32 v3, v11;
	(v2sf) =	vpush v9, $0x4;
	v10 =	vld.idx.msk [tilespmem:v35+s13+$0x0], $0xffff  }
0x126: {  	v37 =	vadd.s32 v4, v31;
	_ =	sdelay $0x3  }
0x127: {  	[tilespmem:v36+s19+$0x0] =	vst.idx.msk $0xffff, v10  }
0x128: {  	v38 =	vor.u32 v5, v11;
	v10 =	vld.idx.msk [tilespmem:v37+s13+$0x0], $0xffff  }
0x129: {  	v12 =	vadd.s32 v6, v31;
	_ =	sdelay $0x3  }
0x12a: {  	[tilespmem:v38+s19+$0x0] =	vst.idx.msk $0xffff, v10  }
0x12b: {  	v11 =	vor.u32 v7, v11;
	v10 =	vld.idx.msk [tilespmem:v12+s13+$0x0], $0xffff;
	_ =	sdelay $0x2  }
0x12c: {  	v39 =	vbroadcast v8, $0xD;
	s29 =	spop (v2sf)  }
0x12d: {  	s28 =	sand.u32 $0x1FFFFF80, s29  }
0x12e: {  	v40 =	vadd.s32 v0, v39;
	s29 =	sadd.s32 $0xFFFFFFFE, s1;
	s28 =	sadd.s32 s0, s28;
	[tilespmem:v11+s19+$0x0] =	vst.idx.msk $0xffff, v10  }
0x12f: {  	v41 =	vmov s29;
	[tilespmem:s13], [sflag:$0x5] =	stream.strided.gather [hbm4b:s28+s16], $0x2000, s8, s16, $0x38;
	[tilespmem:$0x18600] =	vst v63  }
0x130: {  	v42 =	vshll.u32 v41, $0x3;
	_ =	swait.ge [sflag:s24], $0x2000  }
0x131: {  	v13 =	vand.u32 $0xC00, v42;
	v11 =	vand.u32 $0x7D, v41;
	[sflag:s24] =	ssyncset.done $0x0  }
0x132: {  	v11 =	vor.u32 v11, v13;
	[sflag:s24] =	ssyncadd.s32 $0xFFFFE000  }
0x133: {  	v13 =	vor.u32 v1, v11;
	v10 =	vld.idx.msk [tilespmem:v40+s14+$0x0], $0xffff  }
0x134: {  	v43 =	vadd.s32 v2, v39;
	_ =	sdelay $0x3  }
0x135: {  	[tilespmem:v13+s19+$0x0] =	vst.idx.msk $0xffff, v10  }
0x136: {  	v44 =	vor.u32 v3, v11;
	(v2sf) =	vpush v9, $0x5;
	v10 =	vld.idx.msk [tilespmem:v43+s14+$0x0], $0xffff  }
0x137: {  	v45 =	vadd.s32 v4, v39;
	_ =	sdelay $0x3  }
0x138: {  	[tilespmem:v44+s19+$0x0] =	vst.idx.msk $0xffff, v10  }
0x139: {  	v46 =	vor.u32 v5, v11;
	v10 =	vld.idx.msk [tilespmem:v45+s14+$0x0], $0xffff  }
0x13a: {  	v12 =	vadd.s32 v6, v39;
	_ =	sdelay $0x3  }
0x13b: {  	[tilespmem:v46+s19+$0x0] =	vst.idx.msk $0xffff, v10  }
0x13c: {  	v11 =	vor.u32 v7, v11;
	v10 =	vld.idx.msk [tilespmem:v12+s14+$0x0], $0xffff;
	_ =	sdelay $0x2  }
0x13d: {  	v47 =	vbroadcast v8, $0xE;
	s29 =	spop (v2sf)  }
0x13e: {  	s28 =	sand.u32 $0x1FFFFF80, s29  }
0x13f: {  	v48 =	vadd.s32 v0, v47;
	s29 =	sadd.s32 $0xFFFFFFFF, s1;
	s28 =	sadd.s32 s0, s28;
	[tilespmem:v11+s19+$0x0] =	vst.idx.msk $0xffff, v10  }
0x140: {  	v49 =	vmov s29;
	[tilespmem:s14], [sflag:$0x6] =	stream.strided.gather [hbm4b:s28+s16], $0x2000, s8, s16, $0x38;
	[tilespmem:$0x18600] =	vst v63  }
0x141: {  	v50 =	vshll.u32 v49, $0x3;
	_ =	swait.ge [sflag:s25], $0x2000  }
0x142: {  	v13 =	vand.u32 $0xC00, v50;
	v11 =	vand.u32 $0x7E, v49;
	[sflag:s25] =	ssyncset.done $0x0  }
0x143: {  	v11 =	vor.u32 v11, v13;
	[sflag:s25] =	ssyncadd.s32 $0xFFFFE000  }
0x144: {  	v13 =	vor.u32 v1, v11;
	v10 =	vld.idx.msk [tilespmem:v48+s15+$0x0], $0xffff  }
0x145: {  	v51 =	vadd.s32 v2, v47;
	_ =	sdelay $0x3  }
0x146: {  	[tilespmem:v13+s19+$0x0] =	vst.idx.msk $0xffff, v10  }
0x147: {  	v52 =	vor.u32 v3, v11;
	(v2sf) =	vpush v9, $0x6;
	v10 =	vld.idx.msk [tilespmem:v51+s15+$0x0], $0xffff  }
0x148: {  	v53 =	vadd.s32 v4, v47;
	_ =	sdelay $0x3  }
0x149: {  	[tilespmem:v52+s19+$0x0] =	vst.idx.msk $0xffff, v10  }
0x14a: {  	v54 =	vor.u32 v5, v11;
	v9 =	vld.idx.msk [tilespmem:v53+s15+$0x0], $0xffff  }
0x14b: {  	v12 =	vadd.s32 v6, v47;
	_ =	sdelay $0x3  }
0x14c: {  	[tilespmem:v54+s19+$0x0] =	vst.idx.msk $0xffff, v9  }
0x14d: {  	v55 =	vor.u32 v7, v11;
	v9 =	vld.idx.msk [tilespmem:v12+s15+$0x0], $0xffff;
	_ =	sdelay $0x2  }
0x14e: {  	v8 =	vbroadcast v8, $0xF;
	s29 =	spop (v2sf)  }
0x14f: {  	s28 =	sand.u32 $0x1FFFFF80, s29  }
0x150: {  	v56 =	vadd.s32 v0, v8;
	s28 =	sadd.s32 s0, s28;
	[tilespmem:v55+s19+$0x0] =	vst.idx.msk $0xffff, v9  }
0x151: {  	v57 =	vmov s1;
	[tilespmem:s15], [sflag:$0x7] =	stream.strided.gather [hbm4b:s28+s16], $0x2000, s8, s16, $0x38;
	[tilespmem:$0x18600] =	vst v63  }
0x152: {  	v58 =	vshll.u32 v57, $0x3;
	_ =	swait.ge [sflag:s26], $0x2000  }
0x153: {  	v11 =	vand.u32 $0xC00, v58;
	v10 =	vand.u32 $0x7F, v57;
	[sflag:s26] =	ssyncset.done $0x0  }
0x154: {  	v10 =	vor.u32 v10, v11;
	[sflag:s26] =	ssyncadd.s32 $0xFFFFE000  }
0x155: {  	v11 =	vor.u32 v1, v10;
	v9 =	vld.idx.msk [tilespmem:v56+s17+$0x0], $0xffff  }
0x156: {  	v59 =	vadd.s32 v2, v8;
	_ =	sdelay $0x3  }
0x157: {  	[tilespmem:v11+s19+$0x0] =	vst.idx.msk $0xffff, v9  }
0x158: {  	v60 =	vor.u32 v3, v10;
	v9 =	vld.idx.msk [tilespmem:v59+s17+$0x0], $0xffff  }
0x159: {  	v61 =	vadd.s32 v4, v8;
	_ =	sdelay $0x3  }
0x15a: {  	[tilespmem:v60+s19+$0x0] =	vst.idx.msk $0xffff, v9  }
0x15b: {  	v62 =	vor.u32 v5, v10;
	v9 =	vld.idx.msk [tilespmem:v61+s17+$0x0], $0xffff  }
0x15c: {  	v8 =	vadd.s32 v6, v8;
	_ =	sdelay $0x3  }
0x15d: {  	[tilespmem:v62+s19+$0x0] =	vst.idx.msk $0xffff, v9  }
0x15e: {  	p0 =	sne.s32 s1, $0x1FF;
	v63 =	vor.u32 v7, v10;
	v8 =	vld.idx.msk [tilespmem:v8+s17+$0x0], $0xffff  }
.Ltmp1:
0x15f: {  	_ = 	snop;
	(pc) =	sbr.rel @p0 .LBB2_4-.Ltmp1, $3  }
0x160: {  	_ =	sdelay $0x1  }
0x161: {  	s2 =	sadd.s32 $0x1, s2  }
0x162: {  	s3 =	sadd.s32 $0x10, s3;
	s31 =	sadd.s32 $0x10, s31;
	s1 =	sadd.s32 $0x10, s1;
	[tilespmem:v63+s19+$0x0] =	vst.idx.msk $0xffff, v8  }
0x163: {  	_ =	swait.ge [sflag:s18], $0x2000  }
0x164: {  	[sflag:s18] =	ssyncset.done $0x0  }
0x165: {  	[sflag:s18] =	ssyncadd.s32 $0xFFFFE000  }
0x166: {  	_ =	swait.ge [sflag:s20], $0x2000  }
0x167: {  	[sflag:s20] =	ssyncset.done $0x0  }
0x168: {  	[sflag:s20] =	ssyncadd.s32 $0xFFFFE000  }
0x169: {  	_ =	swait.ge [sflag:s21], $0x2000  }
0x16a: {  	[sflag:s21] =	ssyncset.done $0x0  }
0x16b: {  	[sflag:s21] =	ssyncadd.s32 $0xFFFFE000  }
0x16c: {  	_ =	swait.ge [sflag:s22], $0x2000  }
0x16d: {  	[sflag:s22] =	ssyncset.done $0x0  }
0x16e: {  	[sflag:s22] =	ssyncadd.s32 $0xFFFFE000  }
0x16f: {  	_ =	swait.ge [sflag:s23], $0x2000  }
0x170: {  	[sflag:s23] =	ssyncset.done $0x0  }
0x171: {  	[sflag:s23] =	ssyncadd.s32 $0xFFFFE000  }
0x172: {  	_ =	swait.ge [sflag:s24], $0x2000  }
0x173: {  	[sflag:s24] =	ssyncset.done $0x0  }
0x174: {  	[sflag:s24] =	ssyncadd.s32 $0xFFFFE000  }
0x175: {  	s30 =	sadd.s32 $0x1, s30;
	_ =	swait.ge [sflag:s25], $0x2000  }
0x176: {  	s1 =	simm.s32 $0x1000;
	p0 =	sne.s32 s30, s6;
	[sflag:s25] =	ssyncset.done $0x0  }
.Ltmp2:
0x177: {  	s2 =	simm.s32 $0x20000;
	[sflag:s25] =	ssyncadd.s32 $0xFFFFE000;
	(pc) =	sbr.rel @p0 .LBB2_1-.Ltmp2, $4  }
0x178: {  	[hbm4b:s5+s1] =	stream.strided.scatter [tilespmem:s19], [sflag:$0x9], $0x8000, s2, s1, $0x38;
	[tilespmem:$0x18600] =	vst v63  }
0x179: {  	_ =	swait.ge [sflag:s7], $0x8000  }
0x17a: {  	[sflag:s7] =	ssyncset.done $0x0  }
0x17b: {  	[sflag:s7] =	ssyncadd.s32 $0xFFFF8000  }
0x17c: {  	_ =	sfence.sel $0x180000  }
0x17d: {  	[bflag:$0x0] =	sbarrier.arrive $0xFFFF  }
0x17e: {  	_ =	strace $0x90000047  }
0x17f: {  	s0 =	stileid.u32;
	[bflag:$0x2] =	sbarrier.arrive $0xFFFF  }
0x180: {  	p0 =	sne.s32 s0, $0x0;
	s0 =	rddreg [dreg:$0x3]  }
0x181: {  	s0 =	sadd.s32 @!p0 $0x100000, s0  }
0x182: {  	[sflag:s0] =	ssyncadd.tile.s32 @!p0 $0x1;
	_ =	shalt  }
.Lfunc_end2:
_tile_overlayer_lowered:
.L_overlay_start_2:
0x183: {  	(tag) =	ssettag $0x2  }
0x184: {  	s0 =	rddreg [dreg:$0x0];
	s2 =	stileid.u32  }
0x185: {  	s1 =	rddreg [dreg:$0x1];
	p0 =	sne.s32 s2, $0x0  }
0x186: {  	s3 =	rddreg [dreg:$0x2];
	[bflag:$0x3] =	sbarrier.arrive $0xFFFF;
	s2 =	simm.s32 @!p0 $0x1C09  }
0x187: {  	[timem:s3], [sflag:s2] =	dma.local @!p0 [hbm:s0], s1  }
0x188: {  	s0 =	simm.s32 @!p0 $0x9  }
0x189: {  	_ =	swait.ge @!p0 [sflag:s0], s1  }
0x18a: {  	s1 =	ssub.s32 @!p0 $0x0, s1;
	[sflag:s0] =	ssyncset.done @!p0 $0x0  }
0x18b: {  	[sflag:s0] =	ssyncadd.s32 @!p0 s1  }
0x18c: {  	[bflag:$0x3] =	sbarrier.arrive $0xFFFF  }
0x18d: {  	_ =	shalt  }

</sc_bundles>
